<compile_context>
chip_gen: v7x
topology: tpu7x:2x2x1
jax: 0.10.2.dev20260603
libtpu: 0.0.44.dev20260713+nightly
codegen_flags: <defaults>
</compile_context>

<pallas_src>
import functools

import jax
import jax.numpy as jnp
from jax import lax
from jax.experimental import pallas as pl
from jax.experimental.pallas import tpu as pltpu
from jax.experimental.pallas import tpu_sc as plsc


def kernel(x, emb_table, pos_embd):
    B, S = x.shape
    V, D = emb_table.shape
    info = plsc.get_sparse_core_info()
    NC, NS, L = info.num_cores, info.num_subcores, info.num_lanes
    NW = NC * NS
    EPW = B // NW

    mesh = plsc.VectorSubcoreMesh(core_axis_name="c", subcore_axis_name="s")

    @functools.partial(
        pl.kernel,
        mesh=mesh,
        compiler_params=pltpu.CompilerParams(use_tc_tiling_on_sc=False),
        out_type=jax.ShapeDtypeStruct((B * S * D // 128, 128), jnp.float32),
        scratch_types=[
            pltpu.VMEM((EPW, S), jnp.int32),
            pltpu.VMEM((2, S, D), jnp.float32),
            pltpu.VMEM((2, S * D // 128, 128), jnp.float32),
            pltpu.VMEM((S, D), jnp.float32),
        ]
        + [pltpu.SemaphoreType.DMA] * 4,
    )
    def emb_kernel(x_hbm, table_hbm, pos_hbm, out_hbm, idx_all, g_v, o_v, pos_v, *sems):
        gsem = sems[:2]
        ssem = sems[2:]
        wid = lax.axis_index("s") * NC + lax.axis_index("c")
        e0 = wid * EPW

        pltpu.sync_copy(pos_hbm, pos_v)
        pltpu.sync_copy(x_hbm.at[pl.ds(e0, EPW)], idx_all)

        def start_gather(c, b):
            pltpu.async_copy(table_hbm.at[idx_all.at[c]], g_v.at[b], gsem[b])

        def wait_gather(c, b):
            pltpu.make_async_copy(table_hbm.at[idx_all.at[c]], g_v.at[b], gsem[b]).wait()

        RPE = S * D // 128

        def start_store(c, b):
            pltpu.async_copy(o_v.at[b], out_hbm.at[pl.ds((e0 + c) * RPE, RPE)], ssem[b])

        def wait_store(c, b):
            pltpu.make_async_copy(
                o_v.at[b], out_hbm.at[pl.ds((e0 + c) * RPE, RPE)], ssem[b]
            ).wait()

        start_gather(0, 0)

        @pl.loop(0, EPW, step=2)
        def ring(g):
            for k in range(2):
                c = g + k
                b = k

                @pl.when(c + 1 < EPW)
                def _():
                    start_gather(c + 1, 1 - b)

                wait_gather(c, b)

                @pl.when(c >= 2)
                def _():
                    wait_store(c - 2, b)

                @pl.loop(0, S // 2)
                def row_add(q):
                    for p in range(2):
                        for d in range(D // L):
                            sl = pl.ds(d * L, L)
                            o_v[b, q, pl.ds(p * D + d * L, L)] = (
                                g_v[b, 2 * q + p, sl] + pos_v[2 * q + p, sl]
                            )

                start_store(c, b)

        wait_store(EPW - 2, EPW % 2)
        wait_store(EPW - 1, 1 - EPW % 2)

    tbl_pairs = jax.lax.optimization_barrier(emb_table.reshape(V // 2, 2 * D))
    tbl_lin = tbl_pairs.reshape(V, D)
    out = emb_kernel(x.astype(jnp.int32), tbl_lin, pos_embd)
    out2 = jax.lax.optimization_barrier(out.reshape(B, S * D))
    return out2.reshape(B, S, D)

# --- scband reference (transcript-rebuilt; emitter-appended) ---
"""Pipeline reference for scband-clipembeddings-7756710936939 (READ-ONLY COPY).

The authoritative reference and input builder live on the scoring server;
editing this copy changes nothing except your own understanding.
"""

import jax, jax.numpy as jnp
import numpy as np

VOCAB = 1000000
D_EMBD = 64
SEQ_LEN = 200
BATCH = 4096

def setup_inputs(seed: int = 0) -> dict:
    key = jax.random.key(seed)
    k1, k2, k3 = jax.random.split(key, 3)
    x = jax.random.randint(k1, (BATCH, SEQ_LEN), 0, VOCAB, dtype=jnp.int64 if jax.config.jax_enable_x64 else jnp.int32)
    emb_table = jax.random.normal(k2, (VOCAB, D_EMBD), dtype=jnp.float32) * 0.02
    pos_embd = jnp.zeros((SEQ_LEN, D_EMBD), dtype=jnp.float32)
    return {"x": x, "emb_table": emb_table, "pos_embd": pos_embd}

def reference(x, emb_table, pos_embd):
    # nn.Embedding lookup: gather rows of the table
    h = jnp.take(emb_table, x, axis=0)  # [B, S, D]
    # add positional embedding (broadcast over batch)
    h = h + pos_embd[None, :, :]
    return h

if __name__ == "__main__":
    import jax
    _d = setup_inputs()
    print(jax.jit(kernel)(*tuple(_d.values())))

</pallas_src>

<mosaic_0001>
#map = affine_map<(d0, d1) -> (0, 0)>
module attributes {stable_mosaic.version = 14 : i64} {
  func.func @emb_kernel(%arg0: i32, %arg1: i32, %arg2: memref<4096x200xi32, #tpu.memory_space<hbm>>, %arg3: memref<1000000x64xf32, #tpu.memory_space<hbm>>, %arg4: memref<200x64xf32, #tpu.memory_space<hbm>>, %arg5: memref<409600x128xf32, #tpu.memory_space<hbm>>, %arg6: memref<128x200xi32, #tpu.memory_space<vmem>>, %arg7: memref<2x200x64xf32, #tpu.memory_space<vmem>>, %arg8: memref<2x100x128xf32, #tpu.memory_space<vmem>>, %arg9: memref<200x64xf32, #tpu.memory_space<vmem>>, %arg10: memref<!tpu.dma_semaphore, #tpu.memory_space<semaphore_mem>>, %arg11: memref<!tpu.dma_semaphore, #tpu.memory_space<semaphore_mem>>, %arg12: memref<!tpu.dma_semaphore, #tpu.memory_space<semaphore_mem>>, %arg13: memref<!tpu.dma_semaphore, #tpu.memory_space<semaphore_mem>>) attributes {dimension_semantics = [#tpu.dimension_semantics<core_parallel>, #tpu.dimension_semantics<subcore_parallel>], iteration_bounds = array<i64: 2, 16>, scalar_prefetch = 0 : i64, scratch_operands = 8 : i64, tpu.core_type = #tpu.core_type<sc_vector_subcore>, window_params = [{transform_indices = #map}, {transform_indices = #map}, {transform_indices = #map}, {transform_indices = #map}]} {
    %mul3A = arith.constant 2 : i32
    %mul3A_0 = arith.muli %arg1, %mul3A : i32
    %add3A = arith.addi %mul3A_0, %arg0 : i32
    %mul3A_1 = arith.constant 128 : i32
    %mul3A_2 = arith.muli %add3A, %mul3A_1 : i32
    "tpu.region"() ({
      %run_scoped3A = tpu.sem_alloc : memref<!tpu.dma_semaphore, #tpu.memory_space<semaphore_mem>>
      tpu.enqueue_dma source(%arg4 : memref<200x64xf32, #tpu.memory_space<hbm>>) target(%arg9 : memref<200x64xf32, #tpu.memory_space<vmem>>) target_semaphore(%run_scoped3A : memref<!tpu.dma_semaphore, #tpu.memory_space<semaphore_mem>>)
      tpu.wait_dma2 semaphore(%run_scoped3A : memref<!tpu.dma_semaphore, #tpu.memory_space<semaphore_mem>>) src(%arg4 : memref<200x64xf32, #tpu.memory_space<hbm>>) dst(%arg9 : memref<200x64xf32, #tpu.memory_space<vmem>>)
      tpu.yield
    }) : () -> ()
    "tpu.region"() ({
      %run_scoped3A = tpu.sem_alloc : memref<!tpu.dma_semaphore, #tpu.memory_space<semaphore_mem>>
      %dma_start3A_51 = arith.constant 0 : i32
      %dma_start3A_52 = tpu.memref_slice %arg2[%mul3A_2, %dma_start3A_51] : memref<4096x200xi32, #tpu.memory_space<hbm>> -> memref<128x200xi32, #tpu.memory_space<hbm>>
      %dma_start3A_53 = arith.constant 0 : i32
      %dma_start3A_54 = tpu.memref_slice %arg2[%mul3A_2, %dma_start3A_53] : memref<4096x200xi32, #tpu.memory_space<hbm>> -> memref<128x200xi32, #tpu.memory_space<hbm>>
      tpu.enqueue_dma source(%dma_start3A_54 : memref<128x200xi32, #tpu.memory_space<hbm>>) target(%arg6 : memref<128x200xi32, #tpu.memory_space<vmem>>) target_semaphore(%run_scoped3A : memref<!tpu.dma_semaphore, #tpu.memory_space<semaphore_mem>>)
      %dma_wait3A_55 = arith.constant 0 : i32
      %dma_wait3A_56 = tpu.memref_slice %arg2[%mul3A_2, %dma_wait3A_55] : memref<4096x200xi32, #tpu.memory_space<hbm>> -> memref<128x200xi32, #tpu.memory_space<hbm>>
      %dma_wait3A_57 = arith.constant 0 : i32
      %dma_wait3A_58 = tpu.memref_slice %arg2[%mul3A_2, %dma_wait3A_57] : memref<4096x200xi32, #tpu.memory_space<hbm>> -> memref<128x200xi32, #tpu.memory_space<hbm>>
      tpu.wait_dma2 semaphore(%run_scoped3A : memref<!tpu.dma_semaphore, #tpu.memory_space<semaphore_mem>>) src(%dma_wait3A_58 : memref<128x200xi32, #tpu.memory_space<hbm>>) dst(%arg6 : memref<128x200xi32, #tpu.memory_space<vmem>>)
      tpu.yield
    }) : () -> ()
    %dma_start3A = arith.constant 0 : i32
    %dma_start3A_3 = arith.constant 0 : i32
    %dma_start3A_4 = arith.constant 0 : i32
    %dma_start3A_5 = arith.constant 0 : i32
    %dma_start3A_6 = tpu.memref_slice %arg7[%dma_start3A_3, %dma_start3A_4, %dma_start3A_5] : memref<2x200x64xf32, #tpu.memory_space<vmem>> -> memref<1x200x64xf32, #tpu.memory_space<vmem>>
    %dma_start3A_7 = tpu.memref_squeeze %dma_start3A_6 : memref<1x200x64xf32, #tpu.memory_space<vmem>> -> memref<200x64xf32, #tpu.memory_space<vmem>>
    %dma_start3A_8 = arith.constant 0 : i32
    %dma_start3A_9 = tpu.memref_slice %arg6[%dma_start3A, %dma_start3A_8] : memref<128x200xi32, #tpu.memory_space<vmem>> -> memref<1x200xi32, #tpu.memory_space<vmem>>
    %dma_start3A_10 = tpu.memref_squeeze %dma_start3A_9 : memref<1x200xi32, #tpu.memory_space<vmem>> -> memref<200xi32, #tpu.memory_space<vmem>>
    %dma_start3A_11 = arith.constant 0 : i32
    %dma_start3A_12 = arith.constant 0 : i32
    %dma_start3A_13 = tpu.memref_slice %arg3[%dma_start3A_11, %dma_start3A_12] : memref<1000000x64xf32, #tpu.memory_space<hbm>> -> memref<1000000x64xf32, #tpu.memory_space<hbm>>
    tpu.enqueue_indirect_dma source(%dma_start3A_13 : memref<1000000x64xf32, #tpu.memory_space<hbm>>) target(%dma_start3A_7 : memref<200x64xf32, #tpu.memory_space<vmem>>) offsets(%dma_start3A_10 : memref<200xi32, #tpu.memory_space<vmem>>) semaphore(%arg10 : memref<!tpu.dma_semaphore, #tpu.memory_space<semaphore_mem>>)
    %scan3A = arith.constant 0 : i32
    %scan3A_14 = arith.constant 64 : i32
    %scan3A_15 = arith.addi %scan3A, %scan3A_14 : i32
    %scan3A_16 = arith.constant 1 : i32
    scf.for %scan3A_51 = %scan3A to %scan3A_15 step %scan3A_16  : i32 {
      %mul3A_52 = arith.constant 2 : i32
      %mul3A_53 = arith.muli %scan3A_51, %mul3A_52 : i32
      %add3A_54 = arith.constant 0 : i32
      %add3A_55 = arith.addi %add3A_54, %mul3A_53 : i32
      %add3A_56 = arith.constant 0 : i32
      %add3A_57 = arith.addi %add3A_55, %add3A_56 : i32
      %add3A_58 = arith.constant 1 : i32
      %add3A_59 = arith.addi %add3A_57, %add3A_58 : i32
      %lt3A = arith.constant 128 : i32
      %lt3A_60 = arith.cmpi slt, %add3A_59, %lt3A : i32
      %convert_element_type3A = arith.extui %lt3A_60 : i1 to i32
      %cond3A = arith.constant 0 : i32
      %cond3A_61 = arith.cmpi ne, %convert_element_type3A, %cond3A : i32
      scf.if %cond3A_61 {
        %add3A_144 = arith.constant 1 : i32
        %add3A_145 = arith.addi %add3A_57, %add3A_144 : i32
        %dma_start3A_146 = arith.constant 1 : i32
        %dma_start3A_147 = arith.constant 0 : i32
        %dma_start3A_148 = arith.constant 0 : i32
        %dma_start3A_149 = tpu.memref_slice %arg7[%dma_start3A_146, %dma_start3A_147, %dma_start3A_148] : memref<2x200x64xf32, #tpu.memory_space<vmem>> -> memref<1x200x64xf32, #tpu.memory_space<vmem>>
        %dma_start3A_150 = tpu.memref_squeeze %dma_start3A_149 : memref<1x200x64xf32, #tpu.memory_space<vmem>> -> memref<200x64xf32, #tpu.memory_space<vmem>>
        %dma_start3A_151 = arith.constant 0 : i32
        %dma_start3A_152 = tpu.memref_slice %arg6[%add3A_145, %dma_start3A_151] : memref<128x200xi32, #tpu.memory_space<vmem>> -> memref<1x200xi32, #tpu.memory_space<vmem>>
        %dma_start3A_153 = tpu.memref_squeeze %dma_start3A_152 : memref<1x200xi32, #tpu.memory_space<vmem>> -> memref<200xi32, #tpu.memory_space<vmem>>
        %dma_start3A_154 = arith.constant 0 : i32
        %dma_start3A_155 = arith.constant 0 : i32
        %dma_start3A_156 = tpu.memref_slice %arg3[%dma_start3A_154, %dma_start3A_155] : memref<1000000x64xf32, #tpu.memory_space<hbm>> -> memref<1000000x64xf32, #tpu.memory_space<hbm>>
        tpu.enqueue_indirect_dma source(%dma_start3A_156 : memref<1000000x64xf32, #tpu.memory_space<hbm>>) target(%dma_start3A_150 : memref<200x64xf32, #tpu.memory_space<vmem>>) offsets(%dma_start3A_153 : memref<200xi32, #tpu.memory_space<vmem>>) semaphore(%arg11 : memref<!tpu.dma_semaphore, #tpu.memory_space<semaphore_mem>>)
      } else {
      }
      %dma_wait3A_62 = arith.constant 0 : i32
      %dma_wait3A_63 = arith.constant 0 : i32
      %dma_wait3A_64 = arith.constant 0 : i32
      %dma_wait3A_65 = tpu.memref_slice %arg7[%dma_wait3A_62, %dma_wait3A_63, %dma_wait3A_64] : memref<2x200x64xf32, #tpu.memory_space<vmem>> -> memref<1x200x64xf32, #tpu.memory_space<vmem>>
      %dma_wait3A_66 = tpu.memref_squeeze %dma_wait3A_65 : memref<1x200x64xf32, #tpu.memory_space<vmem>> -> memref<200x64xf32, #tpu.memory_space<vmem>>
      %dma_wait3A_67 = arith.constant 0 : i32
      %dma_wait3A_68 = tpu.memref_slice %arg6[%add3A_57, %dma_wait3A_67] : memref<128x200xi32, #tpu.memory_space<vmem>> -> memref<1x200xi32, #tpu.memory_space<vmem>>
      %dma_wait3A_69 = tpu.memref_squeeze %dma_wait3A_68 : memref<1x200xi32, #tpu.memory_space<vmem>> -> memref<200xi32, #tpu.memory_space<vmem>>
      %dma_wait3A_70 = arith.constant 0 : i32
      %dma_wait3A_71 = arith.constant 0 : i32
      %dma_wait3A_72 = tpu.memref_slice %arg3[%dma_wait3A_70, %dma_wait3A_71] : memref<1000000x64xf32, #tpu.memory_space<hbm>> -> memref<1000000x64xf32, #tpu.memory_space<hbm>>
      tpu.wait_indirect_dma semaphore(%arg10 : memref<!tpu.dma_semaphore, #tpu.memory_space<semaphore_mem>>) src(%dma_wait3A_72 : memref<1000000x64xf32, #tpu.memory_space<hbm>>) dst(%dma_wait3A_66 : memref<200x64xf32, #tpu.memory_space<vmem>>)
      %ge3A = arith.constant 2 : i32
      %ge3A_73 = arith.cmpi sge, %add3A_57, %ge3A : i32
      %convert_element_type3A_74 = arith.extui %ge3A_73 : i1 to i32
      %cond3A_75 = arith.constant 0 : i32
      %cond3A_76 = arith.cmpi ne, %convert_element_type3A_74, %cond3A_75 : i32
      scf.if %cond3A_76 {
        %sub3A = arith.constant 2 : i32
        %sub3A_144 = arith.subi %add3A_57, %sub3A : i32
        %add3A_145 = arith.addi %mul3A_2, %sub3A_144 : i32
        %mul3A_146 = arith.constant 100 : i32
        %mul3A_147 = arith.muli %add3A_145, %mul3A_146 : i32
        %dma_wait3A_148 = arith.constant 0 : i32
        %dma_wait3A_149 = arith.constant 0 : i32
        %dma_wait3A_150 = arith.constant 0 : i32
        %dma_wait3A_151 = tpu.memref_slice %arg8[%dma_wait3A_148, %dma_wait3A_149, %dma_wait3A_150] : memref<2x100x128xf32, #tpu.memory_space<vmem>> -> memref<1x100x128xf32, #tpu.memory_space<vmem>>
        %dma_wait3A_152 = tpu.memref_squeeze %dma_wait3A_151 : memref<1x100x128xf32, #tpu.memory_space<vmem>> -> memref<100x128xf32, #tpu.memory_space<vmem>>
        %dma_wait3A_153 = arith.constant 0 : i32
        %dma_wait3A_154 = tpu.memref_slice %arg5[%mul3A_147, %dma_wait3A_153] : memref<409600x128xf32, #tpu.memory_space<hbm>> -> memref<100x128xf32, #tpu.memory_space<hbm>>
        %dma_wait3A_155 = arith.constant 0 : i32
        %dma_wait3A_156 = tpu.memref_slice %arg5[%mul3A_147, %dma_wait3A_155] : memref<409600x128xf32, #tpu.memory_space<hbm>> -> memref<100x128xf32, #tpu.memory_space<hbm>>
        %dma_wait3A_157 = arith.constant 0 : i32
        %dma_wait3A_158 = arith.constant 0 : i32
        %dma_wait3A_159 = tpu.memref_slice %arg8[%dma_wait3A_148, %dma_wait3A_157, %dma_wait3A_158] : memref<2x100x128xf32, #tpu.memory_space<vmem>> -> memref<1x100x128xf32, #tpu.memory_space<vmem>>
        %dma_wait3A_160 = tpu.memref_squeeze %dma_wait3A_159 : memref<1x100x128xf32, #tpu.memory_space<vmem>> -> memref<100x128xf32, #tpu.memory_space<vmem>>
        tpu.wait_dma2 semaphore(%arg12 : memref<!tpu.dma_semaphore, #tpu.memory_space<semaphore_mem>>) src(%dma_wait3A_160 : memref<100x128xf32, #tpu.memory_space<vmem>>) dst(%dma_wait3A_156 : memref<100x128xf32, #tpu.memory_space<hbm>>)
      } else {
      }
      %scan3A_77 = arith.constant 0 : i32
      %scan3A_78 = arith.constant 100 : i32
      %scan3A_79 = arith.addi %scan3A_77, %scan3A_78 : i32
      %scan3A_80 = arith.constant 1 : i32
      scf.for %scan3A_144 = %scan3A_77 to %scan3A_79 step %scan3A_80  : i32 {
        %mul3A_145 = arith.constant 1 : i32
        %mul3A_146 = arith.muli %scan3A_144, %mul3A_145 : i32
        %add3A_147 = arith.constant 0 : i32
        %add3A_148 = arith.addi %add3A_147, %mul3A_146 : i32
        %mul3A_149 = arith.constant 2 : i32
        %mul3A_150 = arith.muli %mul3A_149, %add3A_148 : i32
        %add3A_151 = arith.constant 0 : i32
        %add3A_152 = arith.addi %mul3A_150, %add3A_151 : i32
        %get3A = arith.constant 0 : i32
        %get3A_153 = arith.index_cast %get3A : i32 to index
        %get3A_154 = arith.index_cast %add3A_152 : i32 to index
        %get3A_155 = arith.constant 0 : index
        %get3A_156 = tpu.vector_load %arg7[%get3A_153, %get3A_154, %get3A_155] {strides = array<i32>} : memref<2x200x64xf32, #tpu.memory_space<vmem>>, vector<1x1x16xf32>,
        %get3A_157 = vector.shape_cast %get3A_156 : vector<1x1x16xf32> to vector<16xf32>
        %mul3A_158 = arith.constant 2 : i32
        %mul3A_159 = arith.muli %mul3A_158, %add3A_148 : i32
        %add3A_160 = arith.constant 0 : i32
        %add3A_161 = arith.addi %mul3A_159, %add3A_160 : i32
        %get3A_162 = arith.index_cast %add3A_161 : i32 to index
        %get3A_163 = arith.constant 0 : index
        %get3A_164 = tpu.vector_load %arg9[%get3A_162, %get3A_163] {strides = array<i32>} : memref<200x64xf32, #tpu.memory_space<vmem>>, vector<1x16xf32>,
        %get3A_165 = vector.shape_cast %get3A_164 : vector<1x16xf32> to vector<16xf32>
        %add3A_166 = arith.addf %get3A_157, %get3A_165 : vector<16xf32>
        %swap3A = arith.constant 0 : i32
        %swap3A_167 = arith.index_cast %swap3A : i32 to index
        %swap3A_168 = arith.index_cast %add3A_148 : i32 to index
        %swap3A_169 = arith.constant 0 : index
        %swap3A_170 = tpu.vector_load %arg8[%swap3A_167, %swap3A_168, %swap3A_169] {strides = array<i32>} : memref<2x100x128xf32, #tpu.memory_space<vmem>>, vector<1x1x16xf32>,
        %swap3A_171 = vector.shape_cast %swap3A_170 : vector<1x1x16xf32> to vector<16xf32>
        %swap3A_172 = vector.shape_cast %add3A_166 : vector<16xf32> to vector<1x1x16xf32>
        tpu.vector_store %arg8[%swap3A_167, %swap3A_168, %swap3A_169], %swap3A_172 {strides = array<i32>} : memref<2x100x128xf32, #tpu.memory_space<vmem>>, vector<1x1x16xf32>,
        %mul3A_173 = arith.constant 2 : i32
        %mul3A_174 = arith.muli %mul3A_173, %add3A_148 : i32
        %add3A_175 = arith.constant 0 : i32
        %add3A_176 = arith.addi %mul3A_174, %add3A_175 : i32
        %get3A_177 = arith.constant 0 : i32
        %get3A_178 = arith.index_cast %get3A_177 : i32 to index
        %get3A_179 = arith.index_cast %add3A_176 : i32 to index
        %get3A_180 = arith.constant 16 : index
        %get3A_181 = tpu.vector_load %arg7[%get3A_178, %get3A_179, %get3A_180] {strides = array<i32>} : memref<2x200x64xf32, #tpu.memory_space<vmem>>, vector<1x1x16xf32>,
        %get3A_182 = vector.shape_cast %get3A_181 : vector<1x1x16xf32> to vector<16xf32>
        %mul3A_183 = arith.constant 2 : i32
        %mul3A_184 = arith.muli %mul3A_183, %add3A_148 : i32
        %add3A_185 = arith.constant 0 : i32
        %add3A_186 = arith.addi %mul3A_184, %add3A_185 : i32
        %get3A_187 = arith.index_cast %add3A_186 : i32 to index
        %get3A_188 = arith.constant 16 : index
        %get3A_189 = tpu.vector_load %arg9[%get3A_187, %get3A_188] {strides = array<i32>} : memref<200x64xf32, #tpu.memory_space<vmem>>, vector<1x16xf32>,
        %get3A_190 = vector.shape_cast %get3A_189 : vector<1x16xf32> to vector<16xf32>
        %add3A_191 = arith.addf %get3A_182, %get3A_190 : vector<16xf32>
        %swap3A_192 = arith.constant 0 : i32
        %swap3A_193 = arith.index_cast %swap3A_192 : i32 to index
        %swap3A_194 = arith.index_cast %add3A_148 : i32 to index
        %swap3A_195 = arith.constant 16 : index
        %swap3A_196 = tpu.vector_load %arg8[%swap3A_193, %swap3A_194, %swap3A_195] {strides = array<i32>} : memref<2x100x128xf32, #tpu.memory_space<vmem>>, vector<1x1x16xf32>,
        %swap3A_197 = vector.shape_cast %swap3A_196 : vector<1x1x16xf32> to vector<16xf32>
        %swap3A_198 = vector.shape_cast %add3A_191 : vector<16xf32> to vector<1x1x16xf32>
        tpu.vector_store %arg8[%swap3A_193, %swap3A_194, %swap3A_195], %swap3A_198 {strides = array<i32>} : memref<2x100x128xf32, #tpu.memory_space<vmem>>, vector<1x1x16xf32>,
        %mul3A_199 = arith.constant 2 : i32
        %mul3A_200 = arith.muli %mul3A_199, %add3A_148 : i32
        %add3A_201 = arith.constant 0 : i32
        %add3A_202 = arith.addi %mul3A_200, %add3A_201 : i32
        %get3A_203 = arith.constant 0 : i32
        %get3A_204 = arith.index_cast %get3A_203 : i32 to index
        %get3A_205 = arith.index_cast %add3A_202 : i32 to index
        %get3A_206 = arith.constant 32 : index
        %get3A_207 = tpu.vector_load %arg7[%get3A_204, %get3A_205, %get3A_206] {strides = array<i32>} : memref<2x200x64xf32, #tpu.memory_space<vmem>>, vector<1x1x16xf32>,
        %get3A_208 = vector.shape_cast %get3A_207 : vector<1x1x16xf32> to vector<16xf32>
        %mul3A_209 = arith.constant 2 : i32
        %mul3A_210 = arith.muli %mul3A_209, %add3A_148 : i32
        %add3A_211 = arith.constant 0 : i32
        %add3A_212 = arith.addi %mul3A_210, %add3A_211 : i32
        %get3A_213 = arith.index_cast %add3A_212 : i32 to index
        %get3A_214 = arith.constant 32 : index
        %get3A_215 = tpu.vector_load %arg9[%get3A_213, %get3A_214] {strides = array<i32>} : memref<200x64xf32, #tpu.memory_space<vmem>>, vector<1x16xf32>,
        %get3A_216 = vector.shape_cast %get3A_215 : vector<1x16xf32> to vector<16xf32>
        %add3A_217 = arith.addf %get3A_208, %get3A_216 : vector<16xf32>
        %swap3A_218 = arith.constant 0 : i32
        %swap3A_219 = arith.index_cast %swap3A_218 : i32 to index
        %swap3A_220 = arith.index_cast %add3A_148 : i32 to index
        %swap3A_221 = arith.constant 32 : index
        %swap3A_222 = tpu.vector_load %arg8[%swap3A_219, %swap3A_220, %swap3A_221] {strides = array<i32>} : memref<2x100x128xf32, #tpu.memory_space<vmem>>, vector<1x1x16xf32>,
        %swap3A_223 = vector.shape_cast %swap3A_222 : vector<1x1x16xf32> to vector<16xf32>
        %swap3A_224 = vector.shape_cast %add3A_217 : vector<16xf32> to vector<1x1x16xf32>
        tpu.vector_store %arg8[%swap3A_219, %swap3A_220, %swap3A_221], %swap3A_224 {strides = array<i32>} : memref<2x100x128xf32, #tpu.memory_space<vmem>>, vector<1x1x16xf32>,
        %mul3A_225 = arith.constant 2 : i32
        %mul3A_226 = arith.muli %mul3A_225, %add3A_148 : i32
        %add3A_227 = arith.constant 0 : i32
        %add3A_228 = arith.addi %mul3A_226, %add3A_227 : i32
        %get3A_229 = arith.constant 0 : i32
        %get3A_230 = arith.index_cast %get3A_229 : i32 to index
        %get3A_231 = arith.index_cast %add3A_228 : i32 to index
        %get3A_232 = arith.constant 48 : index
        %get3A_233 = tpu.vector_load %arg7[%get3A_230, %get3A_231, %get3A_232] {strides = array<i32>} : memref<2x200x64xf32, #tpu.memory_space<vmem>>, vector<1x1x16xf32>,
        %get3A_234 = vector.shape_cast %get3A_233 : vector<1x1x16xf32> to vector<16xf32>
        %mul3A_235 = arith.constant 2 : i32
        %mul3A_236 = arith.muli %mul3A_235, %add3A_148 : i32
        %add3A_237 = arith.constant 0 : i32
        %add3A_238 = arith.addi %mul3A_236, %add3A_237 : i32
        %get3A_239 = arith.index_cast %add3A_238 : i32 to index
        %get3A_240 = arith.constant 48 : index
        %get3A_241 = tpu.vector_load %arg9[%get3A_239, %get3A_240] {strides = array<i32>} : memref<200x64xf32, #tpu.memory_space<vmem>>, vector<1x16xf32>,
        %get3A_242 = vector.shape_cast %get3A_241 : vector<1x16xf32> to vector<16xf32>
        %add3A_243 = arith.addf %get3A_234, %get3A_242 : vector<16xf32>
        %swap3A_244 = arith.constant 0 : i32
        %swap3A_245 = arith.index_cast %swap3A_244 : i32 to index
        %swap3A_246 = arith.index_cast %add3A_148 : i32 to index
        %swap3A_247 = arith.constant 48 : index
        %swap3A_248 = tpu.vector_load %arg8[%swap3A_245, %swap3A_246, %swap3A_247] {strides = array<i32>} : memref<2x100x128xf32, #tpu.memory_space<vmem>>, vector<1x1x16xf32>,
        %swap3A_249 = vector.shape_cast %swap3A_248 : vector<1x1x16xf32> to vector<16xf32>
        %swap3A_250 = vector.shape_cast %add3A_243 : vector<16xf32> to vector<1x1x16xf32>
        tpu.vector_store %arg8[%swap3A_245, %swap3A_246, %swap3A_247], %swap3A_250 {strides = array<i32>} : memref<2x100x128xf32, #tpu.memory_space<vmem>>, vector<1x1x16xf32>,
        %mul3A_251 = arith.constant 2 : i32
        %mul3A_252 = arith.muli %mul3A_251, %add3A_148 : i32
        %add3A_253 = arith.constant 1 : i32
        %add3A_254 = arith.addi %mul3A_252, %add3A_253 : i32
        %get3A_255 = arith.constant 0 : i32
        %get3A_256 = arith.index_cast %get3A_255 : i32 to index
        %get3A_257 = arith.index_cast %add3A_254 : i32 to index
        %get3A_258 = arith.constant 0 : index
        %get3A_259 = tpu.vector_load %arg7[%get3A_256, %get3A_257, %get3A_258] {strides = array<i32>} : memref<2x200x64xf32, #tpu.memory_space<vmem>>, vector<1x1x16xf32>,
        %get3A_260 = vector.shape_cast %get3A_259 : vector<1x1x16xf32> to vector<16xf32>
        %mul3A_261 = arith.constant 2 : i32
        %mul3A_262 = arith.muli %mul3A_261, %add3A_148 : i32
        %add3A_263 = arith.constant 1 : i32
        %add3A_264 = arith.addi %mul3A_262, %add3A_263 : i32
        %get3A_265 = arith.index_cast %add3A_264 : i32 to index
        %get3A_266 = arith.constant 0 : index
        %get3A_267 = tpu.vector_load %arg9[%get3A_265, %get3A_266] {strides = array<i32>} : memref<200x64xf32, #tpu.memory_space<vmem>>, vector<1x16xf32>,
        %get3A_268 = vector.shape_cast %get3A_267 : vector<1x16xf32> to vector<16xf32>
        %add3A_269 = arith.addf %get3A_260, %get3A_268 : vector<16xf32>
        %swap3A_270 = arith.constant 0 : i32
        %swap3A_271 = arith.index_cast %swap3A_270 : i32 to index
        %swap3A_272 = arith.index_cast %add3A_148 : i32 to index
        %swap3A_273 = arith.constant 64 : index
        %swap3A_274 = tpu.vector_load %arg8[%swap3A_271, %swap3A_272, %swap3A_273] {strides = array<i32>} : memref<2x100x128xf32, #tpu.memory_space<vmem>>, vector<1x1x16xf32>,
        %swap3A_275 = vector.shape_cast %swap3A_274 : vector<1x1x16xf32> to vector<16xf32>
        %swap3A_276 = vector.shape_cast %add3A_269 : vector<16xf32> to vector<1x1x16xf32>
        tpu.vector_store %arg8[%swap3A_271, %swap3A_272, %swap3A_273], %swap3A_276 {strides = array<i32>} : memref<2x100x128xf32, #tpu.memory_space<vmem>>, vector<1x1x16xf32>,
        %mul3A_277 = arith.constant 2 : i32
        %mul3A_278 = arith.muli %mul3A_277, %add3A_148 : i32
        %add3A_279 = arith.constant 1 : i32
        %add3A_280 = arith.addi %mul3A_278, %add3A_279 : i32
        %get3A_281 = arith.constant 0 : i32
        %get3A_282 = arith.index_cast %get3A_281 : i32 to index
        %get3A_283 = arith.index_cast %add3A_280 : i32 to index
        %get3A_284 = arith.constant 16 : index
        %get3A_285 = tpu.vector_load %arg7[%get3A_282, %get3A_283, %get3A_284] {strides = array<i32>} : memref<2x200x64xf32, #tpu.memory_space<vmem>>, vector<1x1x16xf32>,
        %get3A_286 = vector.shape_cast %get3A_285 : vector<1x1x16xf32> to vector<16xf32>
        %mul3A_287 = arith.constant 2 : i32
        %mul3A_288 = arith.muli %mul3A_287, %add3A_148 : i32
        %add3A_289 = arith.constant 1 : i32
        %add3A_290 = arith.addi %mul3A_288, %add3A_289 : i32
        %get3A_291 = arith.index_cast %add3A_290 : i32 to index
        %get3A_292 = arith.constant 16 : index
        %get3A_293 = tpu.vector_load %arg9[%get3A_291, %get3A_292] {strides = array<i32>} : memref<200x64xf32, #tpu.memory_space<vmem>>, vector<1x16xf32>,
        %get3A_294 = vector.shape_cast %get3A_293 : vector<1x16xf32> to vector<16xf32>
        %add3A_295 = arith.addf %get3A_286, %get3A_294 : vector<16xf32>
        %swap3A_296 = arith.constant 0 : i32
        %swap3A_297 = arith.index_cast %swap3A_296 : i32 to index
        %swap3A_298 = arith.index_cast %add3A_148 : i32 to index
        %swap3A_299 = arith.constant 80 : index
        %swap3A_300 = tpu.vector_load %arg8[%swap3A_297, %swap3A_298, %swap3A_299] {strides = array<i32>} : memref<2x100x128xf32, #tpu.memory_space<vmem>>, vector<1x1x16xf32>,
        %swap3A_301 = vector.shape_cast %swap3A_300 : vector<1x1x16xf32> to vector<16xf32>
        %swap3A_302 = vector.shape_cast %add3A_295 : vector<16xf32> to vector<1x1x16xf32>
        tpu.vector_store %arg8[%swap3A_297, %swap3A_298, %swap3A_299], %swap3A_302 {strides = array<i32>} : memref<2x100x128xf32, #tpu.memory_space<vmem>>, vector<1x1x16xf32>,
        %mul3A_303 = arith.constant 2 : i32
        %mul3A_304 = arith.muli %mul3A_303, %add3A_148 : i32
        %add3A_305 = arith.constant 1 : i32
        %add3A_306 = arith.addi %mul3A_304, %add3A_305 : i32
        %get3A_307 = arith.constant 0 : i32
        %get3A_308 = arith.index_cast %get3A_307 : i32 to index
        %get3A_309 = arith.index_cast %add3A_306 : i32 to index
        %get3A_310 = arith.constant 32 : index
        %get3A_311 = tpu.vector_load %arg7[%get3A_308, %get3A_309, %get3A_310] {strides = array<i32>} : memref<2x200x64xf32, #tpu.memory_space<vmem>>, vector<1x1x16xf32>,
        %get3A_312 = vector.shape_cast %get3A_311 : vector<1x1x16xf32> to vector<16xf32>
        %mul3A_313 = arith.constant 2 : i32
        %mul3A_314 = arith.muli %mul3A_313, %add3A_148 : i32
        %add3A_315 = arith.constant 1 : i32
        %add3A_316 = arith.addi %mul3A_314, %add3A_315 : i32
        %get3A_317 = arith.index_cast %add3A_316 : i32 to index
        %get3A_318 = arith.constant 32 : index
        %get3A_319 = tpu.vector_load %arg9[%get3A_317, %get3A_318] {strides = array<i32>} : memref<200x64xf32, #tpu.memory_space<vmem>>, vector<1x16xf32>,
        %get3A_320 = vector.shape_cast %get3A_319 : vector<1x16xf32> to vector<16xf32>
        %add3A_321 = arith.addf %get3A_312, %get3A_320 : vector<16xf32>
        %swap3A_322 = arith.constant 0 : i32
        %swap3A_323 = arith.index_cast %swap3A_322 : i32 to index
        %swap3A_324 = arith.index_cast %add3A_148 : i32 to index
        %swap3A_325 = arith.constant 96 : index
        %swap3A_326 = tpu.vector_load %arg8[%swap3A_323, %swap3A_324, %swap3A_325] {strides = array<i32>} : memref<2x100x128xf32, #tpu.memory_space<vmem>>, vector<1x1x16xf32>,
        %swap3A_327 = vector.shape_cast %swap3A_326 : vector<1x1x16xf32> to vector<16xf32>
        %swap3A_328 = vector.shape_cast %add3A_321 : vector<16xf32> to vector<1x1x16xf32>
        tpu.vector_store %arg8[%swap3A_323, %swap3A_324, %swap3A_325], %swap3A_328 {strides = array<i32>} : memref<2x100x128xf32, #tpu.memory_space<vmem>>, vector<1x1x16xf32>,
        %mul3A_329 = arith.constant 2 : i32
        %mul3A_330 = arith.muli %mul3A_329, %add3A_148 : i32
        %add3A_331 = arith.constant 1 : i32
        %add3A_332 = arith.addi %mul3A_330, %add3A_331 : i32
        %get3A_333 = arith.constant 0 : i32
        %get3A_334 = arith.index_cast %get3A_333 : i32 to index
        %get3A_335 = arith.index_cast %add3A_332 : i32 to index
        %get3A_336 = arith.constant 48 : index
        %get3A_337 = tpu.vector_load %arg7[%get3A_334, %get3A_335, %get3A_336] {strides = array<i32>} : memref<2x200x64xf32, #tpu.memory_space<vmem>>, vector<1x1x16xf32>,
        %get3A_338 = vector.shape_cast %get3A_337 : vector<1x1x16xf32> to vector<16xf32>
        %mul3A_339 = arith.constant 2 : i32
        %mul3A_340 = arith.muli %mul3A_339, %add3A_148 : i32
        %add3A_341 = arith.constant 1 : i32
        %add3A_342 = arith.addi %mul3A_340, %add3A_341 : i32
        %get3A_343 = arith.index_cast %add3A_342 : i32 to index
        %get3A_344 = arith.constant 48 : index
        %get3A_345 = tpu.vector_load %arg9[%get3A_343, %get3A_344] {strides = array<i32>} : memref<200x64xf32, #tpu.memory_space<vmem>>, vector<1x16xf32>,
        %get3A_346 = vector.shape_cast %get3A_345 : vector<1x16xf32> to vector<16xf32>
        %add3A_347 = arith.addf %get3A_338, %get3A_346 : vector<16xf32>
        %swap3A_348 = arith.constant 0 : i32
        %swap3A_349 = arith.index_cast %swap3A_348 : i32 to index
        %swap3A_350 = arith.index_cast %add3A_148 : i32 to index
        %swap3A_351 = arith.constant 112 : index
        %swap3A_352 = tpu.vector_load %arg8[%swap3A_349, %swap3A_350, %swap3A_351] {strides = array<i32>} : memref<2x100x128xf32, #tpu.memory_space<vmem>>, vector<1x1x16xf32>,
        %swap3A_353 = vector.shape_cast %swap3A_352 : vector<1x1x16xf32> to vector<16xf32>
        %swap3A_354 = vector.shape_cast %add3A_347 : vector<16xf32> to vector<1x1x16xf32>
        tpu.vector_store %arg8[%swap3A_349, %swap3A_350, %swap3A_351], %swap3A_354 {strides = array<i32>} : memref<2x100x128xf32, #tpu.memory_space<vmem>>, vector<1x1x16xf32>,
      }
      %scan3A_81 = arith.constant 100 : i32
      %add3A_82 = arith.addi %mul3A_2, %add3A_57 : i32
      %mul3A_83 = arith.constant 100 : i32
      %mul3A_84 = arith.muli %add3A_82, %mul3A_83 : i32
      %dma_start3A_85 = arith.constant 0 : i32
      %dma_start3A_86 = arith.constant 0 : i32
      %dma_start3A_87 = arith.constant 0 : i32
      %dma_start3A_88 = tpu.memref_slice %arg8[%dma_start3A_85, %dma_start3A_86, %dma_start3A_87] : memref<2x100x128xf32, #tpu.memory_space<vmem>> -> memref<1x100x128xf32, #tpu.memory_space<vmem>>
      %dma_start3A_89 = tpu.memref_squeeze %dma_start3A_88 : memref<1x100x128xf32, #tpu.memory_space<vmem>> -> memref<100x128xf32, #tpu.memory_space<vmem>>
      %dma_start3A_90 = arith.constant 0 : i32
      %dma_start3A_91 = tpu.memref_slice %arg5[%mul3A_84, %dma_start3A_90] : memref<409600x128xf32, #tpu.memory_space<hbm>> -> memref<100x128xf32, #tpu.memory_space<hbm>>
      %dma_start3A_92 = arith.constant 0 : i32
      %dma_start3A_93 = tpu.memref_slice %arg5[%mul3A_84, %dma_start3A_92] : memref<409600x128xf32, #tpu.memory_space<hbm>> -> memref<100x128xf32, #tpu.memory_space<hbm>>
      %dma_start3A_94 = arith.constant 0 : i32
      %dma_start3A_95 = arith.constant 0 : i32
      %dma_start3A_96 = tpu.memref_slice %arg8[%dma_start3A_85, %dma_start3A_94, %dma_start3A_95] : memref<2x100x128xf32, #tpu.memory_space<vmem>> -> memref<1x100x128xf32, #tpu.memory_space<vmem>>
      %dma_start3A_97 = tpu.memref_squeeze %dma_start3A_96 : memref<1x100x128xf32, #tpu.memory_space<vmem>> -> memref<100x128xf32, #tpu.memory_space<vmem>>
      tpu.enqueue_dma source(%dma_start3A_97 : memref<100x128xf32, #tpu.memory_space<vmem>>) target(%dma_start3A_93 : memref<100x128xf32, #tpu.memory_space<hbm>>) target_semaphore(%arg12 : memref<!tpu.dma_semaphore, #tpu.memory_space<semaphore_mem>>)
      %add3A_98 = arith.constant 1 : i32
      %add3A_99 = arith.addi %add3A_55, %add3A_98 : i32
      %add3A_100 = arith.constant 1 : i32
      %add3A_101 = arith.addi %add3A_99, %add3A_100 : i32
      %lt3A_102 = arith.constant 128 : i32
      %lt3A_103 = arith.cmpi slt, %add3A_101, %lt3A_102 : i32
      %convert_element_type3A_104 = arith.extui %lt3A_103 : i1 to i32
      %cond3A_105 = arith.constant 0 : i32
      %cond3A_106 = arith.cmpi ne, %convert_element_type3A_104, %cond3A_105 : i32
      scf.if %cond3A_106 {
        %add3A_144 = arith.constant 1 : i32
        %add3A_145 = arith.addi %add3A_99, %add3A_144 : i32
        %dma_start3A_146 = arith.constant 0 : i32
        %dma_start3A_147 = arith.constant 0 : i32
        %dma_start3A_148 = arith.constant 0 : i32
        %dma_start3A_149 = tpu.memref_slice %arg7[%dma_start3A_146, %dma_start3A_147, %dma_start3A_148] : memref<2x200x64xf32, #tpu.memory_space<vmem>> -> memref<1x200x64xf32, #tpu.memory_space<vmem>>
        %dma_start3A_150 = tpu.memref_squeeze %dma_start3A_149 : memref<1x200x64xf32, #tpu.memory_space<vmem>> -> memref<200x64xf32, #tpu.memory_space<vmem>>
        %dma_start3A_151 = arith.constant 0 : i32
        %dma_start3A_152 = tpu.memref_slice %arg6[%add3A_145, %dma_start3A_151] : memref<128x200xi32, #tpu.memory_space<vmem>> -> memref<1x200xi32, #tpu.memory_space<vmem>>
        %dma_start3A_153 = tpu.memref_squeeze %dma_start3A_152 : memref<1x200xi32, #tpu.memory_space<vmem>> -> memref<200xi32, #tpu.memory_space<vmem>>
        %dma_start3A_154 = arith.constant 0 : i32
        %dma_start3A_155 = arith.constant 0 : i32
        %dma_start3A_156 = tpu.memref_slice %arg3[%dma_start3A_154, %dma_start3A_155] : memref<1000000x64xf32, #tpu.memory_space<hbm>> -> memref<1000000x64xf32, #tpu.memory_space<hbm>>
        tpu.enqueue_indirect_dma source(%dma_start3A_156 : memref<1000000x64xf32, #tpu.memory_space<hbm>>) target(%dma_start3A_150 : memref<200x64xf32, #tpu.memory_space<vmem>>) offsets(%dma_start3A_153 : memref<200xi32, #tpu.memory_space<vmem>>) semaphore(%arg10 : memref<!tpu.dma_semaphore, #tpu.memory_space<semaphore_mem>>)
      } else {
      }
      %dma_wait3A_107 = arith.constant 1 : i32
      %dma_wait3A_108 = arith.constant 0 : i32
      %dma_wait3A_109 = arith.constant 0 : i32
      %dma_wait3A_110 = tpu.memref_slice %arg7[%dma_wait3A_107, %dma_wait3A_108, %dma_wait3A_109] : memref<2x200x64xf32, #tpu.memory_space<vmem>> -> memref<1x200x64xf32, #tpu.memory_space<vmem>>
      %dma_wait3A_111 = tpu.memref_squeeze %dma_wait3A_110 : memref<1x200x64xf32, #tpu.memory_space<vmem>> -> memref<200x64xf32, #tpu.memory_space<vmem>>
      %dma_wait3A_112 = arith.constant 0 : i32
      %dma_wait3A_113 = tpu.memref_slice %arg6[%add3A_99, %dma_wait3A_112] : memref<128x200xi32, #tpu.memory_space<vmem>> -> memref<1x200xi32, #tpu.memory_space<vmem>>
      %dma_wait3A_114 = tpu.memref_squeeze %dma_wait3A_113 : memref<1x200xi32, #tpu.memory_space<vmem>> -> memref<200xi32, #tpu.memory_space<vmem>>
      %dma_wait3A_115 = arith.constant 0 : i32
      %dma_wait3A_116 = arith.constant 0 : i32
      %dma_wait3A_117 = tpu.memref_slice %arg3[%dma_wait3A_115, %dma_wait3A_116] : memref<1000000x64xf32, #tpu.memory_space<hbm>> -> memref<1000000x64xf32, #tpu.memory_space<hbm>>
      tpu.wait_indirect_dma semaphore(%arg11 : memref<!tpu.dma_semaphore, #tpu.memory_space<semaphore_mem>>) src(%dma_wait3A_117 : memref<1000000x64xf32, #tpu.memory_space<hbm>>) dst(%dma_wait3A_111 : memref<200x64xf32, #tpu.memory_space<vmem>>)
      %ge3A_118 = arith.constant 2 : i32
      %ge3A_119 = arith.cmpi sge, %add3A_99, %ge3A_118 : i32
      %convert_element_type3A_120 = arith.extui %ge3A_119 : i1 to i32
      %cond3A_121 = arith.constant 0 : i32
      %cond3A_122 = arith.cmpi ne, %convert_element_type3A_120, %cond3A_121 : i32
      scf.if %cond3A_122 {
        %sub3A = arith.constant 2 : i32
        %sub3A_144 = arith.subi %add3A_99, %sub3A : i32
        %add3A_145 = arith.addi %mul3A_2, %sub3A_144 : i32
        %mul3A_146 = arith.constant 100 : i32
        %mul3A_147 = arith.muli %add3A_145, %mul3A_146 : i32
        %dma_wait3A_148 = arith.constant 1 : i32
        %dma_wait3A_149 = arith.constant 0 : i32
        %dma_wait3A_150 = arith.constant 0 : i32
        %dma_wait3A_151 = tpu.memref_slice %arg8[%dma_wait3A_148, %dma_wait3A_149, %dma_wait3A_150] : memref<2x100x128xf32, #tpu.memory_space<vmem>> -> memref<1x100x128xf32, #tpu.memory_space<vmem>>
        %dma_wait3A_152 = tpu.memref_squeeze %dma_wait3A_151 : memref<1x100x128xf32, #tpu.memory_space<vmem>> -> memref<100x128xf32, #tpu.memory_space<vmem>>
        %dma_wait3A_153 = arith.constant 0 : i32
        %dma_wait3A_154 = tpu.memref_slice %arg5[%mul3A_147, %dma_wait3A_153] : memref<409600x128xf32, #tpu.memory_space<hbm>> -> memref<100x128xf32, #tpu.memory_space<hbm>>
        %dma_wait3A_155 = arith.constant 0 : i32
        %dma_wait3A_156 = tpu.memref_slice %arg5[%mul3A_147, %dma_wait3A_155] : memref<409600x128xf32, #tpu.memory_space<hbm>> -> memref<100x128xf32, #tpu.memory_space<hbm>>
        %dma_wait3A_157 = arith.constant 0 : i32
        %dma_wait3A_158 = arith.constant 0 : i32
        %dma_wait3A_159 = tpu.memref_slice %arg8[%dma_wait3A_148, %dma_wait3A_157, %dma_wait3A_158] : memref<2x100x128xf32, #tpu.memory_space<vmem>> -> memref<1x100x128xf32, #tpu.memory_space<vmem>>
        %dma_wait3A_160 = tpu.memref_squeeze %dma_wait3A_159 : memref<1x100x128xf32, #tpu.memory_space<vmem>> -> memref<100x128xf32, #tpu.memory_space<vmem>>
        tpu.wait_dma2 semaphore(%arg13 : memref<!tpu.dma_semaphore, #tpu.memory_space<semaphore_mem>>) src(%dma_wait3A_160 : memref<100x128xf32, #tpu.memory_space<vmem>>) dst(%dma_wait3A_156 : memref<100x128xf32, #tpu.memory_space<hbm>>)
      } else {
      }
      %scan3A_123 = arith.constant 0 : i32
      %scan3A_124 = arith.constant 100 : i32
      %scan3A_125 = arith.addi %scan3A_123, %scan3A_124 : i32
      %scan3A_126 = arith.constant 1 : i32
      scf.for %scan3A_144 = %scan3A_123 to %scan3A_125 step %scan3A_126  : i32 {
        %mul3A_145 = arith.constant 1 : i32
        %mul3A_146 = arith.muli %scan3A_144, %mul3A_145 : i32
        %add3A_147 = arith.constant 0 : i32
        %add3A_148 = arith.addi %add3A_147, %mul3A_146 : i32
        %mul3A_149 = arith.constant 2 : i32
        %mul3A_150 = arith.muli %mul3A_149, %add3A_148 : i32
        %add3A_151 = arith.constant 0 : i32
        %add3A_152 = arith.addi %mul3A_150, %add3A_151 : i32
        %get3A = arith.constant 1 : i32
        %get3A_153 = arith.index_cast %get3A : i32 to index
        %get3A_154 = arith.index_cast %add3A_152 : i32 to index
        %get3A_155 = arith.constant 0 : index
        %get3A_156 = tpu.vector_load %arg7[%get3A_153, %get3A_154, %get3A_155] {strides = array<i32>} : memref<2x200x64xf32, #tpu.memory_space<vmem>>, vector<1x1x16xf32>,
        %get3A_157 = vector.shape_cast %get3A_156 : vector<1x1x16xf32> to vector<16xf32>
        %mul3A_158 = arith.constant 2 : i32
        %mul3A_159 = arith.muli %mul3A_158, %add3A_148 : i32
        %add3A_160 = arith.constant 0 : i32
        %add3A_161 = arith.addi %mul3A_159, %add3A_160 : i32
        %get3A_162 = arith.index_cast %add3A_161 : i32 to index
        %get3A_163 = arith.constant 0 : index
        %get3A_164 = tpu.vector_load %arg9[%get3A_162, %get3A_163] {strides = array<i32>} : memref<200x64xf32, #tpu.memory_space<vmem>>, vector<1x16xf32>,
        %get3A_165 = vector.shape_cast %get3A_164 : vector<1x16xf32> to vector<16xf32>
        %add3A_166 = arith.addf %get3A_157, %get3A_165 : vector<16xf32>
        %swap3A = arith.constant 1 : i32
        %swap3A_167 = arith.index_cast %swap3A : i32 to index
        %swap3A_168 = arith.index_cast %add3A_148 : i32 to index
        %swap3A_169 = arith.constant 0 : index
        %swap3A_170 = tpu.vector_load %arg8[%swap3A_167, %swap3A_168, %swap3A_169] {strides = array<i32>} : memref<2x100x128xf32, #tpu.memory_space<vmem>>, vector<1x1x16xf32>,
        %swap3A_171 = vector.shape_cast %swap3A_170 : vector<1x1x16xf32> to vector<16xf32>
        %swap3A_172 = vector.shape_cast %add3A_166 : vector<16xf32> to vector<1x1x16xf32>
        tpu.vector_store %arg8[%swap3A_167, %swap3A_168, %swap3A_169], %swap3A_172 {strides = array<i32>} : memref<2x100x128xf32, #tpu.memory_space<vmem>>, vector<1x1x16xf32>,
        %mul3A_173 = arith.constant 2 : i32
        %mul3A_174 = arith.muli %mul3A_173, %add3A_148 : i32
        %add3A_175 = arith.constant 0 : i32
        %add3A_176 = arith.addi %mul3A_174, %add3A_175 : i32
        %get3A_177 = arith.constant 1 : i32
        %get3A_178 = arith.index_cast %get3A_177 : i32 to index
        %get3A_179 = arith.index_cast %add3A_176 : i32 to index
        %get3A_180 = arith.constant 16 : index
        %get3A_181 = tpu.vector_load %arg7[%get3A_178, %get3A_179, %get3A_180] {strides = array<i32>} : memref<2x200x64xf32, #tpu.memory_space<vmem>>, vector<1x1x16xf32>,
        %get3A_182 = vector.shape_cast %get3A_181 : vector<1x1x16xf32> to vector<16xf32>
        %mul3A_183 = arith.constant 2 : i32
        %mul3A_184 = arith.muli %mul3A_183, %add3A_148 : i32
        %add3A_185 = arith.constant 0 : i32
        %add3A_186 = arith.addi %mul3A_184, %add3A_185 : i32
        %get3A_187 = arith.index_cast %add3A_186 : i32 to index
        %get3A_188 = arith.constant 16 : index
        %get3A_189 = tpu.vector_load %arg9[%get3A_187, %get3A_188] {strides = array<i32>} : memref<200x64xf32, #tpu.memory_space<vmem>>, vector<1x16xf32>,
        %get3A_190 = vector.shape_cast %get3A_189 : vector<1x16xf32> to vector<16xf32>
        %add3A_191 = arith.addf %get3A_182, %get3A_190 : vector<16xf32>
        %swap3A_192 = arith.constant 1 : i32
        %swap3A_193 = arith.index_cast %swap3A_192 : i32 to index
        %swap3A_194 = arith.index_cast %add3A_148 : i32 to index
        %swap3A_195 = arith.constant 16 : index
        %swap3A_196 = tpu.vector_load %arg8[%swap3A_193, %swap3A_194, %swap3A_195] {strides = array<i32>} : memref<2x100x128xf32, #tpu.memory_space<vmem>>, vector<1x1x16xf32>,
        %swap3A_197 = vector.shape_cast %swap3A_196 : vector<1x1x16xf32> to vector<16xf32>
        %swap3A_198 = vector.shape_cast %add3A_191 : vector<16xf32> to vector<1x1x16xf32>
        tpu.vector_store %arg8[%swap3A_193, %swap3A_194, %swap3A_195], %swap3A_198 {strides = array<i32>} : memref<2x100x128xf32, #tpu.memory_space<vmem>>, vector<1x1x16xf32>,
        %mul3A_199 = arith.constant 2 : i32
        %mul3A_200 = arith.muli %mul3A_199, %add3A_148 : i32
        %add3A_201 = arith.constant 0 : i32
        %add3A_202 = arith.addi %mul3A_200, %add3A_201 : i32
        %get3A_203 = arith.constant 1 : i32
        %get3A_204 = arith.index_cast %get3A_203 : i32 to index
        %get3A_205 = arith.index_cast %add3A_202 : i32 to index
        %get3A_206 = arith.constant 32 : index
        %get3A_207 = tpu.vector_load %arg7[%get3A_204, %get3A_205, %get3A_206] {strides = array<i32>} : memref<2x200x64xf32, #tpu.memory_space<vmem>>, vector<1x1x16xf32>,
        %get3A_208 = vector.shape_cast %get3A_207 : vector<1x1x16xf32> to vector<16xf32>
        %mul3A_209 = arith.constant 2 : i32
        %mul3A_210 = arith.muli %mul3A_209, %add3A_148 : i32
        %add3A_211 = arith.constant 0 : i32
        %add3A_212 = arith.addi %mul3A_210, %add3A_211 : i32
        %get3A_213 = arith.index_cast %add3A_212 : i32 to index
        %get3A_214 = arith.constant 32 : index
        %get3A_215 = tpu.vector_load %arg9[%get3A_213, %get3A_214] {strides = array<i32>} : memref<200x64xf32, #tpu.memory_space<vmem>>, vector<1x16xf32>,
        %get3A_216 = vector.shape_cast %get3A_215 : vector<1x16xf32> to vector<16xf32>
        %add3A_217 = arith.addf %get3A_208, %get3A_216 : vector<16xf32>
        %swap3A_218 = arith.constant 1 : i32
        %swap3A_219 = arith.index_cast %swap3A_218 : i32 to index
        %swap3A_220 = arith.index_cast %add3A_148 : i32 to index
        %swap3A_221 = arith.constant 32 : index
        %swap3A_222 = tpu.vector_load %arg8[%swap3A_219, %swap3A_220, %swap3A_221] {strides = array<i32>} : memref<2x100x128xf32, #tpu.memory_space<vmem>>, vector<1x1x16xf32>,
        %swap3A_223 = vector.shape_cast %swap3A_222 : vector<1x1x16xf32> to vector<16xf32>
        %swap3A_224 = vector.shape_cast %add3A_217 : vector<16xf32> to vector<1x1x16xf32>
        tpu.vector_store %arg8[%swap3A_219, %swap3A_220, %swap3A_221], %swap3A_224 {strides = array<i32>} : memref<2x100x128xf32, #tpu.memory_space<vmem>>, vector<1x1x16xf32>,
        %mul3A_225 = arith.constant 2 : i32
        %mul3A_226 = arith.muli %mul3A_225, %add3A_148 : i32
        %add3A_227 = arith.constant 0 : i32
        %add3A_228 = arith.addi %mul3A_226, %add3A_227 : i32
        %get3A_229 = arith.constant 1 : i32
        %get3A_230 = arith.index_cast %get3A_229 : i32 to index
        %get3A_231 = arith.index_cast %add3A_228 : i32 to index
        %get3A_232 = arith.constant 48 : index
        %get3A_233 = tpu.vector_load %arg7[%get3A_230, %get3A_231, %get3A_232] {strides = array<i32>} : memref<2x200x64xf32, #tpu.memory_space<vmem>>, vector<1x1x16xf32>,
        %get3A_234 = vector.shape_cast %get3A_233 : vector<1x1x16xf32> to vector<16xf32>
        %mul3A_235 = arith.constant 2 : i32
        %mul3A_236 = arith.muli %mul3A_235, %add3A_148 : i32
        %add3A_237 = arith.constant 0 : i32
        %add3A_238 = arith.addi %mul3A_236, %add3A_237 : i32
        %get3A_239 = arith.index_cast %add3A_238 : i32 to index
        %get3A_240 = arith.constant 48 : index
        %get3A_241 = tpu.vector_load %arg9[%get3A_239, %get3A_240] {strides = array<i32>} : memref<200x64xf32, #tpu.memory_space<vmem>>, vector<1x16xf32>,
        %get3A_242 = vector.shape_cast %get3A_241 : vector<1x16xf32> to vector<16xf32>
        %add3A_243 = arith.addf %get3A_234, %get3A_242 : vector<16xf32>
        %swap3A_244 = arith.constant 1 : i32
        %swap3A_245 = arith.index_cast %swap3A_244 : i32 to index
        %swap3A_246 = arith.index_cast %add3A_148 : i32 to index
        %swap3A_247 = arith.constant 48 : index
        %swap3A_248 = tpu.vector_load %arg8[%swap3A_245, %swap3A_246, %swap3A_247] {strides = array<i32>} : memref<2x100x128xf32, #tpu.memory_space<vmem>>, vector<1x1x16xf32>,
        %swap3A_249 = vector.shape_cast %swap3A_248 : vector<1x1x16xf32> to vector<16xf32>
        %swap3A_250 = vector.shape_cast %add3A_243 : vector<16xf32> to vector<1x1x16xf32>
        tpu.vector_store %arg8[%swap3A_245, %swap3A_246, %swap3A_247], %swap3A_250 {strides = array<i32>} : memref<2x100x128xf32, #tpu.memory_space<vmem>>, vector<1x1x16xf32>,
        %mul3A_251 = arith.constant 2 : i32
        %mul3A_252 = arith.muli %mul3A_251, %add3A_148 : i32
        %add3A_253 = arith.constant 1 : i32
        %add3A_254 = arith.addi %mul3A_252, %add3A_253 : i32
        %get3A_255 = arith.constant 1 : i32
        %get3A_256 = arith.index_cast %get3A_255 : i32 to index
        %get3A_257 = arith.index_cast %add3A_254 : i32 to index
        %get3A_258 = arith.constant 0 : index
        %get3A_259 = tpu.vector_load %arg7[%get3A_256, %get3A_257, %get3A_258] {strides = array<i32>} : memref<2x200x64xf32, #tpu.memory_space<vmem>>, vector<1x1x16xf32>,
        %get3A_260 = vector.shape_cast %get3A_259 : vector<1x1x16xf32> to vector<16xf32>
        %mul3A_261 = arith.constant 2 : i32
        %mul3A_262 = arith.muli %mul3A_261, %add3A_148 : i32
        %add3A_263 = arith.constant 1 : i32
        %add3A_264 = arith.addi %mul3A_262, %add3A_263 : i32
        %get3A_265 = arith.index_cast %add3A_264 : i32 to index
        %get3A_266 = arith.constant 0 : index
        %get3A_267 = tpu.vector_load %arg9[%get3A_265, %get3A_266] {strides = array<i32>} : memref<200x64xf32, #tpu.memory_space<vmem>>, vector<1x16xf32>,
        %get3A_268 = vector.shape_cast %get3A_267 : vector<1x16xf32> to vector<16xf32>
        %add3A_269 = arith.addf %get3A_260, %get3A_268 : vector<16xf32>
        %swap3A_270 = arith.constant 1 : i32
        %swap3A_271 = arith.index_cast %swap3A_270 : i32 to index
        %swap3A_272 = arith.index_cast %add3A_148 : i32 to index
        %swap3A_273 = arith.constant 64 : index
        %swap3A_274 = tpu.vector_load %arg8[%swap3A_271, %swap3A_272, %swap3A_273] {strides = array<i32>} : memref<2x100x128xf32, #tpu.memory_space<vmem>>, vector<1x1x16xf32>,
        %swap3A_275 = vector.shape_cast %swap3A_274 : vector<1x1x16xf32> to vector<16xf32>
        %swap3A_276 = vector.shape_cast %add3A_269 : vector<16xf32> to vector<1x1x16xf32>
        tpu.vector_store %arg8[%swap3A_271, %swap3A_272, %swap3A_273], %swap3A_276 {strides = array<i32>} : memref<2x100x128xf32, #tpu.memory_space<vmem>>, vector<1x1x16xf32>,
        %mul3A_277 = arith.constant 2 : i32
        %mul3A_278 = arith.muli %mul3A_277, %add3A_148 : i32
        %add3A_279 = arith.constant 1 : i32
        %add3A_280 = arith.addi %mul3A_278, %add3A_279 : i32
        %get3A_281 = arith.constant 1 : i32
        %get3A_282 = arith.index_cast %get3A_281 : i32 to index
        %get3A_283 = arith.index_cast %add3A_280 : i32 to index
        %get3A_284 = arith.constant 16 : index
        %get3A_285 = tpu.vector_load %arg7[%get3A_282, %get3A_283, %get3A_284] {strides = array<i32>} : memref<2x200x64xf32, #tpu.memory_space<vmem>>, vector<1x1x16xf32>,
        %get3A_286 = vector.shape_cast %get3A_285 : vector<1x1x16xf32> to vector<16xf32>
        %mul3A_287 = arith.constant 2 : i32
        %mul3A_288 = arith.muli %mul3A_287, %add3A_148 : i32
        %add3A_289 = arith.constant 1 : i32
        %add3A_290 = arith.addi %mul3A_288, %add3A_289 : i32
        %get3A_291 = arith.index_cast %add3A_290 : i32 to index
        %get3A_292 = arith.constant 16 : index
        %get3A_293 = tpu.vector_load %arg9[%get3A_291, %get3A_292] {strides = array<i32>} : memref<200x64xf32, #tpu.memory_space<vmem>>, vector<1x16xf32>,
        %get3A_294 = vector.shape_cast %get3A_293 : vector<1x16xf32> to vector<16xf32>
        %add3A_295 = arith.addf %get3A_286, %get3A_294 : vector<16xf32>
        %swap3A_296 = arith.constant 1 : i32
        %swap3A_297 = arith.index_cast %swap3A_296 : i32 to index
        %swap3A_298 = arith.index_cast %add3A_148 : i32 to index
        %swap3A_299 = arith.constant 80 : index
        %swap3A_300 = tpu.vector_load %arg8[%swap3A_297, %swap3A_298, %swap3A_299] {strides = array<i32>} : memref<2x100x128xf32, #tpu.memory_space<vmem>>, vector<1x1x16xf32>,
        %swap3A_301 = vector.shape_cast %swap3A_300 : vector<1x1x16xf32> to vector<16xf32>
        %swap3A_302 = vector.shape_cast %add3A_295 : vector<16xf32> to vector<1x1x16xf32>
        tpu.vector_store %arg8[%swap3A_297, %swap3A_298, %swap3A_299], %swap3A_302 {strides = array<i32>} : memref<2x100x128xf32, #tpu.memory_space<vmem>>, vector<1x1x16xf32>,
        %mul3A_303 = arith.constant 2 : i32
        %mul3A_304 = arith.muli %mul3A_303, %add3A_148 : i32
        %add3A_305 = arith.constant 1 : i32
        %add3A_306 = arith.addi %mul3A_304, %add3A_305 : i32
        %get3A_307 = arith.constant 1 : i32
        %get3A_308 = arith.index_cast %get3A_307 : i32 to index
        %get3A_309 = arith.index_cast %add3A_306 : i32 to index
        %get3A_310 = arith.constant 32 : index
        %get3A_311 = tpu.vector_load %arg7[%get3A_308, %get3A_309, %get3A_310] {strides = array<i32>} : memref<2x200x64xf32, #tpu.memory_space<vmem>>, vector<1x1x16xf32>,
        %get3A_312 = vector.shape_cast %get3A_311 : vector<1x1x16xf32> to vector<16xf32>
        %mul3A_313 = arith.constant 2 : i32
        %mul3A_314 = arith.muli %mul3A_313, %add3A_148 : i32
        %add3A_315 = arith.constant 1 : i32
        %add3A_316 = arith.addi %mul3A_314, %add3A_315 : i32
        %get3A_317 = arith.index_cast %add3A_316 : i32 to index
        %get3A_318 = arith.constant 32 : index
        %get3A_319 = tpu.vector_load %arg9[%get3A_317, %get3A_318] {strides = array<i32>} : memref<200x64xf32, #tpu.memory_space<vmem>>, vector<1x16xf32>,
        %get3A_320 = vector.shape_cast %get3A_319 : vector<1x16xf32> to vector<16xf32>
        %add3A_321 = arith.addf %get3A_312, %get3A_320 : vector<16xf32>
        %swap3A_322 = arith.constant 1 : i32
        %swap3A_323 = arith.index_cast %swap3A_322 : i32 to index
        %swap3A_324 = arith.index_cast %add3A_148 : i32 to index
        %swap3A_325 = arith.constant 96 : index
        %swap3A_326 = tpu.vector_load %arg8[%swap3A_323, %swap3A_324, %swap3A_325] {strides = array<i32>} : memref<2x100x128xf32, #tpu.memory_space<vmem>>, vector<1x1x16xf32>,
        %swap3A_327 = vector.shape_cast %swap3A_326 : vector<1x1x16xf32> to vector<16xf32>
        %swap3A_328 = vector.shape_cast %add3A_321 : vector<16xf32> to vector<1x1x16xf32>
        tpu.vector_store %arg8[%swap3A_323, %swap3A_324, %swap3A_325], %swap3A_328 {strides = array<i32>} : memref<2x100x128xf32, #tpu.memory_space<vmem>>, vector<1x1x16xf32>,
        %mul3A_329 = arith.constant 2 : i32
        %mul3A_330 = arith.muli %mul3A_329, %add3A_148 : i32
        %add3A_331 = arith.constant 1 : i32
        %add3A_332 = arith.addi %mul3A_330, %add3A_331 : i32
        %get3A_333 = arith.constant 1 : i32
        %get3A_334 = arith.index_cast %get3A_333 : i32 to index
        %get3A_335 = arith.index_cast %add3A_332 : i32 to index
        %get3A_336 = arith.constant 48 : index
        %get3A_337 = tpu.vector_load %arg7[%get3A_334, %get3A_335, %get3A_336] {strides = array<i32>} : memref<2x200x64xf32, #tpu.memory_space<vmem>>, vector<1x1x16xf32>,
        %get3A_338 = vector.shape_cast %get3A_337 : vector<1x1x16xf32> to vector<16xf32>
        %mul3A_339 = arith.constant 2 : i32
        %mul3A_340 = arith.muli %mul3A_339, %add3A_148 : i32
        %add3A_341 = arith.constant 1 : i32
        %add3A_342 = arith.addi %mul3A_340, %add3A_341 : i32
        %get3A_343 = arith.index_cast %add3A_342 : i32 to index
        %get3A_344 = arith.constant 48 : index
        %get3A_345 = tpu.vector_load %arg9[%get3A_343, %get3A_344] {strides = array<i32>} : memref<200x64xf32, #tpu.memory_space<vmem>>, vector<1x16xf32>,
        %get3A_346 = vector.shape_cast %get3A_345 : vector<1x16xf32> to vector<16xf32>
        %add3A_347 = arith.addf %get3A_338, %get3A_346 : vector<16xf32>
        %swap3A_348 = arith.constant 1 : i32
        %swap3A_349 = arith.index_cast %swap3A_348 : i32 to index
        %swap3A_350 = arith.index_cast %add3A_148 : i32 to index
        %swap3A_351 = arith.constant 112 : index
        %swap3A_352 = tpu.vector_load %arg8[%swap3A_349, %swap3A_350, %swap3A_351] {strides = array<i32>} : memref<2x100x128xf32, #tpu.memory_space<vmem>>, vector<1x1x16xf32>,
        %swap3A_353 = vector.shape_cast %swap3A_352 : vector<1x1x16xf32> to vector<16xf32>
        %swap3A_354 = vector.shape_cast %add3A_347 : vector<16xf32> to vector<1x1x16xf32>
        tpu.vector_store %arg8[%swap3A_349, %swap3A_350, %swap3A_351], %swap3A_354 {strides = array<i32>} : memref<2x100x128xf32, #tpu.memory_space<vmem>>, vector<1x1x16xf32>,
      }
      %scan3A_127 = arith.constant 100 : i32
      %add3A_128 = arith.addi %mul3A_2, %add3A_99 : i32
      %mul3A_129 = arith.constant 100 : i32
      %mul3A_130 = arith.muli %add3A_128, %mul3A_129 : i32
      %dma_start3A_131 = arith.constant 1 : i32
      %dma_start3A_132 = arith.constant 0 : i32
      %dma_start3A_133 = arith.constant 0 : i32
      %dma_start3A_134 = tpu.memref_slice %arg8[%dma_start3A_131, %dma_start3A_132, %dma_start3A_133] : memref<2x100x128xf32, #tpu.memory_space<vmem>> -> memref<1x100x128xf32, #tpu.memory_space<vmem>>
      %dma_start3A_135 = tpu.memref_squeeze %dma_start3A_134 : memref<1x100x128xf32, #tpu.memory_space<vmem>> -> memref<100x128xf32, #tpu.memory_space<vmem>>
      %dma_start3A_136 = arith.constant 0 : i32
      %dma_start3A_137 = tpu.memref_slice %arg5[%mul3A_130, %dma_start3A_136] : memref<409600x128xf32, #tpu.memory_space<hbm>> -> memref<100x128xf32, #tpu.memory_space<hbm>>
      %dma_start3A_138 = arith.constant 0 : i32
      %dma_start3A_139 = tpu.memref_slice %arg5[%mul3A_130, %dma_start3A_138] : memref<409600x128xf32, #tpu.memory_space<hbm>> -> memref<100x128xf32, #tpu.memory_space<hbm>>
      %dma_start3A_140 = arith.constant 0 : i32
      %dma_start3A_141 = arith.constant 0 : i32
      %dma_start3A_142 = tpu.memref_slice %arg8[%dma_start3A_131, %dma_start3A_140, %dma_start3A_141] : memref<2x100x128xf32, #tpu.memory_space<vmem>> -> memref<1x100x128xf32, #tpu.memory_space<vmem>>
      %dma_start3A_143 = tpu.memref_squeeze %dma_start3A_142 : memref<1x100x128xf32, #tpu.memory_space<vmem>> -> memref<100x128xf32, #tpu.memory_space<vmem>>
      tpu.enqueue_dma source(%dma_start3A_143 : memref<100x128xf32, #tpu.memory_space<vmem>>) target(%dma_start3A_139 : memref<100x128xf32, #tpu.memory_space<hbm>>) target_semaphore(%arg13 : memref<!tpu.dma_semaphore, #tpu.memory_space<semaphore_mem>>)
    }
    %scan3A_17 = arith.constant 64 : i32
    %add3A_18 = arith.constant 126 : i32
    %add3A_19 = arith.addi %mul3A_2, %add3A_18 : i32
    %mul3A_20 = arith.constant 100 : i32
    %mul3A_21 = arith.muli %add3A_19, %mul3A_20 : i32
    %dma_wait3A = arith.constant 0 : i32
    %dma_wait3A_22 = arith.constant 0 : i32
    %dma_wait3A_23 = arith.constant 0 : i32
    %dma_wait3A_24 = tpu.memref_slice %arg8[%dma_wait3A, %dma_wait3A_22, %dma_wait3A_23] : memref<2x100x128xf32, #tpu.memory_space<vmem>> -> memref<1x100x128xf32, #tpu.memory_space<vmem>>
    %dma_wait3A_25 = tpu.memref_squeeze %dma_wait3A_24 : memref<1x100x128xf32, #tpu.memory_space<vmem>> -> memref<100x128xf32, #tpu.memory_space<vmem>>
    %dma_wait3A_26 = arith.constant 0 : i32
    %dma_wait3A_27 = tpu.memref_slice %arg5[%mul3A_21, %dma_wait3A_26] : memref<409600x128xf32, #tpu.memory_space<hbm>> -> memref<100x128xf32, #tpu.memory_space<hbm>>
    %dma_wait3A_28 = arith.constant 0 : i32
    %dma_wait3A_29 = tpu.memref_slice %arg5[%mul3A_21, %dma_wait3A_28] : memref<409600x128xf32, #tpu.memory_space<hbm>> -> memref<100x128xf32, #tpu.memory_space<hbm>>
    %dma_wait3A_30 = arith.constant 0 : i32
    %dma_wait3A_31 = arith.constant 0 : i32
    %dma_wait3A_32 = tpu.memref_slice %arg8[%dma_wait3A, %dma_wait3A_30, %dma_wait3A_31] : memref<2x100x128xf32, #tpu.memory_space<vmem>> -> memref<1x100x128xf32, #tpu.memory_space<vmem>>
    %dma_wait3A_33 = tpu.memref_squeeze %dma_wait3A_32 : memref<1x100x128xf32, #tpu.memory_space<vmem>> -> memref<100x128xf32, #tpu.memory_space<vmem>>
    tpu.wait_dma2 semaphore(%arg12 : memref<!tpu.dma_semaphore, #tpu.memory_space<semaphore_mem>>) src(%dma_wait3A_33 : memref<100x128xf32, #tpu.memory_space<vmem>>) dst(%dma_wait3A_29 : memref<100x128xf32, #tpu.memory_space<hbm>>)
    %add3A_34 = arith.constant 127 : i32
    %add3A_35 = arith.addi %mul3A_2, %add3A_34 : i32
    %mul3A_36 = arith.constant 100 : i32
    %mul3A_37 = arith.muli %add3A_35, %mul3A_36 : i32
    %dma_wait3A_38 = arith.constant 1 : i32
    %dma_wait3A_39 = arith.constant 0 : i32
    %dma_wait3A_40 = arith.constant 0 : i32
    %dma_wait3A_41 = tpu.memref_slice %arg8[%dma_wait3A_38, %dma_wait3A_39, %dma_wait3A_40] : memref<2x100x128xf32, #tpu.memory_space<vmem>> -> memref<1x100x128xf32, #tpu.memory_space<vmem>>
    %dma_wait3A_42 = tpu.memref_squeeze %dma_wait3A_41 : memref<1x100x128xf32, #tpu.memory_space<vmem>> -> memref<100x128xf32, #tpu.memory_space<vmem>>
    %dma_wait3A_43 = arith.constant 0 : i32
    %dma_wait3A_44 = tpu.memref_slice %arg5[%mul3A_37, %dma_wait3A_43] : memref<409600x128xf32, #tpu.memory_space<hbm>> -> memref<100x128xf32, #tpu.memory_space<hbm>>
    %dma_wait3A_45 = arith.constant 0 : i32
    %dma_wait3A_46 = tpu.memref_slice %arg5[%mul3A_37, %dma_wait3A_45] : memref<409600x128xf32, #tpu.memory_space<hbm>> -> memref<100x128xf32, #tpu.memory_space<hbm>>
    %dma_wait3A_47 = arith.constant 0 : i32
    %dma_wait3A_48 = arith.constant 0 : i32
    %dma_wait3A_49 = tpu.memref_slice %arg8[%dma_wait3A_38, %dma_wait3A_47, %dma_wait3A_48] : memref<2x100x128xf32, #tpu.memory_space<vmem>> -> memref<1x100x128xf32, #tpu.memory_space<vmem>>
    %dma_wait3A_50 = tpu.memref_squeeze %dma_wait3A_49 : memref<1x100x128xf32, #tpu.memory_space<vmem>> -> memref<100x128xf32, #tpu.memory_space<vmem>>
    tpu.wait_dma2 semaphore(%arg13 : memref<!tpu.dma_semaphore, #tpu.memory_space<semaphore_mem>>) src(%dma_wait3A_50 : memref<100x128xf32, #tpu.memory_space<vmem>>) dst(%dma_wait3A_46 : memref<100x128xf32, #tpu.memory_space<hbm>>)
    return
  }
}

</mosaic_0001>

<sc_bundles>
// kernel: kernel.3.cloned.1.call-start
scs
__scs_entry_jumppad:
0x0: {  	(pc) =	sbr.rel $0x88, $3  }
0x1: {  	(tag) =	ssettag $0x0;
	lr =	simm.s32 $0x1  }
0x2: {  	[smem:$0x3F9E] =	sst lr;
	_ =	strace $0xD0000000  }
0x3: {  	_ = 	snop  }
0x4: {  	_ = 	snop  }
0x5: {  	_ = 	snop  }
0x6: {  	_ = 	snop  }
0x7: {  	_ = 	snop  }
__scs_overlays_trampoline_lowered:
0x8: {  	[smem:$0x3FAD] =	sst s0  }
0x9: {  	[smem:$0x3FAE] =	sst s1  }
0xa: {  	[smem:$0x3FAF] =	sst s2  }
0xb: {  	[smem:$0x3FB0] =	sst s3  }
0xc: {  	[smem:$0x3FB1] =	sst s4  }
0xd: {  	[smem:$0x3FB2] =	sst s5  }
0xe: {  	[smem:$0x3FB3] =	sst s6  }
0xf: {  	[smem:$0x3FB4] =	sst s7  }
0x10: {  	[smem:$0x3FB5] =	sst s8  }
0x11: {  	[smem:$0x3FB6] =	sst s9;
	s0 =	simm.s32 @!p0 $0x0  }
0x12: {  	s1 =	sld [smem:$0x3F9C];
	s0 =	simm.s32 @p0 $0x1  }
0x13: {  	[smem:$0x3FB7] =	sst s0;
	s0 =	simm.s32 @!p1 $0x0  }
0x14: {  	s2 =	sld [smem:$0x3F9B];
	s0 =	simm.s32 @p1 $0x1  }
0x15: {  	[smem:$0x3FB8] =	sst s0;
	s0 =	simm.s32 @!p2 $0x0  }
0x16: {  	s3 =	sld [smem:$0x3FDB];
	s0 =	simm.s32 @p2 $0x1  }
0x17: {  	s4 =	simm.s32 $0x1BF5;
	[smem:$0x3FBA] =	sst s0  }
0x18: {  	s0 =	sld [smem:$0x3F9D];
	_ =	swait.ge [sflag:s4], $0x0  }
0x19: {  	s7 =	sld [smem:$0x3F9E]  }
0x1a: {  	s8 =	sadd.s32 $0xFFFFE003, lr  }
0x1b: {  	s9 =	sadd.s32 $0xFFFFFEF7, lr;
	s5 =	simm.s32 $0xFFFFFFFF;
	p2 =	slt.u32 s8, $0xFFFFF086  }
0x1c: {  	p1 =	slt.u32 s9, $0xF7A;
	s5 =	simm.s32 @!p2 $0x0  }
0x1d: {  	s5 =	simm.s32 @p1 $0x1;
	p0 =	seq.s32 s7, s2  }
0x1e: {  	s7 =	smul.u32 @!p0 $0xF7A, s2;
	p2 =	seq.s32 @!p0 s5, $0x0  }
0x1f: {  	s9 =	smul.u32 $0xF7A, s1;
	s8 =	simm.s32 @!p0 $0x1BF5;
	p2 =	por !p2, p0  }
0x20: {  	[sflag:s8] =	ssyncset.s32 @!p0 $0xFFFFF086;
	s6 =	sadd.s32 @!p0 s3, s7;
	s7 =	simm.s32 @!p0 $0x108  }
0x21: {  	s3 =	sadd.s32 s3, s9;
	s6 =	sadd.s32 @!p0 $0x88, s6;
	s7 =	simm.s32 @p2 $0x1082  }
0x22: {  	[simem:s7], [sflag:s8] =	dma.local @!p0 [hbm:s6], $0xF7A  }
0x23: {  	s9 =	sor.u32 $0xD0000000, s2;
	s6 =	simm.s32 $0x108;
	_ =	swait.ge @!p0 [sflag:s8], $0x0  }
0x24: {  	s3 =	sadd.s32 $0x88, s3;
	s6 =	simm.s32 @!p1 $0x1082;
	[sflag:s4] =	ssyncset.s32 $0xFFFFF086  }
0x25: {  	[simem:s6], [sflag:s4] =	dma.local [hbm:s3], $0xF7A  }
0x26: {  	[smem:$0x3F9E] =	sst s1;
	(tag) =	ssettag s2;
	_ =	strace s9  }
0x27: {  	s1 =	sld [smem:$0x3FAE]  }
0x28: {  	s2 =	sld [smem:$0x3FAF]  }
0x29: {  	s4 =	sld [smem:$0x3FB1]  }
0x2a: {  	p0 =	seq.s32 s5, $0x0;
	s5 =	sld [smem:$0x3FB2]  }
0x2b: {  	s6 =	sld [smem:$0x3FB3]  }
0x2c: {  	s7 =	sld [smem:$0x3FB4]  }
0x2d: {  	s3 =	simm.s32 $0x108;
	s8 =	sld [smem:$0x3FB5]  }
0x2e: {  	s3 =	simm.s32 @!p0 $0x1082;
	s9 =	sld [smem:$0x3FB6]  }
0x2f: {  	lr =	sadd.s32 s0, s3;
	s0 =	sld [smem:$0x3FAD]  }
0x30: {  	s3 =	sld [smem:$0x3FB0]  }
0x31: {  	[smem:$0x3FB9] =	sst s10  }
0x32: {  	s10 =	sld [smem:$0x3FB7];
	_ =	sdelay $0x3  }
0x33: {  	p0 =	seq.s32 s10, $0x1;
	s10 =	sld [smem:$0x3FB9];
	_ =	sdelay $0x3  }
0x34: {  	[smem:$0x3FB9] =	sst s10  }
0x35: {  	s10 =	sld [smem:$0x3FB8];
	_ =	sdelay $0x3  }
0x36: {  	p1 =	seq.s32 s10, $0x1;
	s10 =	sld [smem:$0x3FB9];
	_ =	sdelay $0x3  }
0x37: {  	[smem:$0x3FB9] =	sst s10  }
0x38: {  	s10 =	sld [smem:$0x3FBA]  }
0x39: {  	_ = 	snop;
	(pc) =	sbr.ind lr, $3  }
0x3a: {  	_ = 	snop  }
0x3b: {  	_ = 	snop  }
0x3c: {  	p2 =	seq.s32 s10, $0x1;
	s10 =	sld [smem:$0x3FB9]  }
0x3d: {  	_ =	shalt  }
0x3e: {  	_ =	shalt  }
0x3f: {  	_ =	shalt  }
0x40: {  	_ =	shalt  }
0x41: {  	_ =	shalt  }
0x42: {  	_ =	shalt  }
0x43: {  	_ =	shalt  }
0x44: {  	_ =	shalt  }
0x45: {  	_ =	shalt  }
0x46: {  	_ =	shalt  }
0x47: {  	_ =	shalt  }
0x48: {  	_ =	shalt  }
0x49: {  	_ =	shalt  }
0x4a: {  	_ =	shalt  }
0x4b: {  	_ =	shalt  }
0x4c: {  	_ =	shalt  }
0x4d: {  	_ =	shalt  }
0x4e: {  	_ =	shalt  }
0x4f: {  	_ =	shalt  }
0x50: {  	_ =	shalt  }
0x51: {  	_ =	shalt  }
0x52: {  	_ =	shalt  }
0x53: {  	_ =	shalt  }
0x54: {  	_ =	shalt  }
0x55: {  	_ =	shalt  }
0x56: {  	_ =	shalt  }
0x57: {  	_ =	shalt  }
0x58: {  	_ =	shalt  }
0x59: {  	_ =	shalt  }
0x5a: {  	_ =	shalt  }
0x5b: {  	_ =	shalt  }
0x5c: {  	_ =	shalt  }
0x5d: {  	_ =	shalt  }
0x5e: {  	_ =	shalt  }
0x5f: {  	_ =	shalt  }
0x60: {  	_ =	shalt  }
0x61: {  	_ =	shalt  }
0x62: {  	_ =	shalt  }
0x63: {  	_ =	shalt  }
0x64: {  	_ =	shalt  }
0x65: {  	_ =	shalt  }
0x66: {  	_ =	shalt  }
0x67: {  	_ =	shalt  }
0x68: {  	_ =	shalt  }
0x69: {  	_ =	shalt  }
0x6a: {  	_ =	shalt  }
0x6b: {  	_ =	shalt  }
0x6c: {  	_ =	shalt  }
0x6d: {  	_ =	shalt  }
0x6e: {  	_ =	shalt  }
0x6f: {  	_ =	shalt  }
0x70: {  	_ =	shalt  }
0x71: {  	_ =	shalt  }
0x72: {  	_ =	shalt  }
0x73: {  	_ =	shalt  }
0x74: {  	_ =	shalt  }
0x75: {  	_ =	shalt  }
0x76: {  	_ =	shalt  }
0x77: {  	_ =	shalt  }
0x78: {  	_ =	shalt  }
0x79: {  	_ =	shalt  }
0x7a: {  	_ =	shalt  }
0x7b: {  	_ =	shalt  }
0x7c: {  	_ =	shalt  }
0x7d: {  	_ =	shalt  }
0x7e: {  	_ =	shalt  }
0x7f: {  	_ =	shalt  }
0x80: {  	_ =	shalt  }
0x81: {  	_ =	shalt  }
0x82: {  	_ =	shalt  }
0x83: {  	_ =	shalt  }
0x84: {  	_ =	shalt  }
0x85: {  	_ =	shalt  }
0x86: {  	_ =	shalt  }
0x87: {  	_ =	shalt  }
.Lfunc_end0:
.L_simem_size_0:
called_computation.1_lowered:
.L_overlay_start_0:
0x88: {  	s2 =	sld [smem:$0x3FD9]  }
0x89: {  	s3 =	sld [smem:$0x3FFE];
	_ =	sdelay $0x1  }
0x8a: {  	s1 =	srdreg.scid  }
0x8b: {  	s0 =	sand.u32 $0x1, s1  }
0x8c: {  	s17 =	sshll.u32 s0, $0xA;
	s2 =	sadd.s32 s3, s2  }
0x8d: {  	s2 =	sadd.s32 s2, s17  }
0x8e: {  	[smem:$0x3FC5] =	sst s2  }
0x8f: {  	_ = 	snop  }
0x90: {  	s2 =	sld [smem:$0x3FD0];
	(tm) =	ssettm $0x1  }
0x91: {  	s18 =	sld [smem:$0x3FFB];
	_ =	sdelay $0x3  }
0x92: {  	_ =	strace s18  }
0x93: {  	s3 =	sld [smem:$0x3FFC];
	_ =	sdelay $0x3  }
0x94: {  	_ =	strace s3  }
0x95: {  	s3 =	sld [smem:$0x3FFD];
	_ =	sdelay $0x3  }
0x96: {  	_ =	strace s3  }
0x97: {  	_ =	strace $0x8FFFFFFF  }
0x98: {  	s19 =	sld [smem:$0x3FDB];
	_ =	sdelay $0x1  }
0x99: {  	s4 =	simm.s32 $_scs_section_size  }
0x9a: {  	s5 =	simm.s32 $_size__tile_overlayer_lowered;
	s6 =	simm.s32 $_tile_overlayer_lowered  }
0x9b: {  	s22 =	simm.s32 $0x1BFF;
	s21 =	sshll.u32 s6, $0x1;
	s3 =	sadd.s32 s4, s19  }
0x9c: {  	s7 =	simm.s32 $0x0;
	s20 =	sshll.u32 s5, $0x1;
	s5 =	sadd.s32 s21, s3  }
0x9d: {  	[timem:s7], [sflag:s22] =	dma.local [hbm:s5], s20  }
0x9e: {  	_ =	swait.ge [sflag:s22], s20  }
0x9f: {  	s4 =	ssub.s32 $0x0, s20;
	[sflag:s22] =	ssyncset.done $0x0  }
0xa0: {  	[sflag:s22] =	ssyncadd.s32 s4;
	_ =	sdelay $0x1  }
0xa1: {  	s23 =	simm.s32 $0x1B8B  }
0xa2: {  	_ =	swait.ge [sflag:s23], $0x1  }
0xa3: {  	[sflag:s23] =	ssyncset.done $0x0  }
0xa4: {  	s25 =	simm.s32 $0x1B8E;
	s24 =	sld [smem:$0x3FFE];
	[sflag:s23] =	ssyncadd.s32 $0xFFFFFFFF  }
0xa5: {  	s26 =	simm.s32 $execute0_lowered;
	[smem:$0x3FD2] =	sst s25  }
0xa6: {  	s5 =	sshll.u32 s26, $0x1;
	_ =	strace $0x80000046;
	[dreg:$0x1] =	wrdreg $0xFFFFFFFF  }
0xa7: {  	s28 =	simm.s32 $_size_execute0_lowered;
	s3 =	sadd.s32 s3, s5;
	[dreg:$0x0] =	wrdreg $0x0  }
0xa8: {  	s5 =	sshll.u32 s28, $0x1;
	[dreg:$0x2] =	wrdreg s3  }
0xa9: {  	[dreg:$0x3] =	wrdreg s5  }
0xaa: {  	[dreg:$0x4] =	wrdreg $0xC0  }
0xab: {  	_ =	task [dreg:s7], $0x5FFFF  }
0xac: {  	[dreg:$0x1] =	wrdreg $0xFFFFFFFF  }
0xad: {  	[dreg:$0x0] =	wrdreg $0x60  }
0xae: {  	[dreg:$0x2] =	wrdreg s24  }
0xaf: {  	[dreg:$0x3] =	wrdreg s2  }
0xb0: {  	[dreg:$0x4] =	wrdreg $0x9  }
0xb1: {  	_ =	task.clear_ibuf [dreg:s7], $0x5FFFF;
	_ =	strace $0x90000046  }
0xb2: {  	s29 =	simm.s32 $0x9;
	_ =	strace $0x80000048  }
0xb3: {  	_ =	swait.ge [sflag:s29], $0x1  }
0xb4: {  	[sflag:s29] =	ssyncadd.s32 $0xFFFFFFFF  }
0xb5: {  	_ =	strace $0x90000048  }
0xb6: {  	_ =	sfence  }
0xb7: {  	s30 =	sld [smem:$0x0];
	_ =	sdelay $0x2  }
0xb8: {  	s31 =	sshll.u32 s1, $0xD;
	s1 =	sshrl.u32 s1, $0x2  }
0xb9: {  	s3 =	sand.u32 $0x4000, s31;
	s1 =	sadd.s32 s1, s30  }
0xba: {  	s0 =	sor.u32 s3, s0;
	s1 =	sshll.u32 s1, $0x11  }
0xbb: {  	s0 =	sor.u32 s1, s0  }
0xbc: {  	s0 =	sadd.s32 $0x8F2B, s0  }
0xbd: {  	[sflag:s0] =	ssyncadd.remote.s32 $0x1  }
0xbe: {  	_ =	sfence.sel $0xFFFF  }
0xbf: {  	[dreg:$0x0] =	wrdreg $0xFFFFFFFF;
	(pc) =	sbr.abs _section_cstart, $3  }
0xc0: {  	[dreg:$0x1] =	wrdreg $0xFFFFFFFF  }
0xc1: {  	_ =	task.clear_ibuf [dreg:s7], $0x2FFFF;
	_ =	strace $0x9FFFFFFF  }
0xc2: {  	(tm) =	ssettm $0x7FFFFFFF  }
0xc3: {  	_ =	shalt  }
tec
execute0_lowered:
.L_overlay_start_1:
0x0: {  	(tag) =	ssettag $0x1  }
0x1: {  	s1 =	srdreg.scid  }
0x2: {  	s6 =	rddreg [dreg:$0x0];
	s0 =	stileid.u32  }
0x3: {  	s2 =	rddreg [dreg:$0x1];
	s3 =	simm.s32 $0x0;
	s10 =	simm.s32 $0x5  }
0x4: {  	s11 =	simm.s32 $0xC8;
	s12 =	simm.s32 $0x6400;
	s13 =	simm.s32 $0x9600  }
0x5: {  	s14 =	simm.s32 $0x1;
	s15 =	simm.s32 $0xC800;
	s16 =	simm.s32 $0x2  }
0x6: {  	s17 =	simm.s32 $0x4;
	s18 =	simm.s32 $0xFA00;
	s5 =	sand.u32 $0x1, s1  }
0x7: {  	s19 =	simm.s32 $0x3;
	s4 =	sshll.u32 s0, $0x8;
	s7 =	sshll.u32 s5, $0x7  }
0x8: {  	s20 =	simm.s32 $0x0;
	s1 =	rddreg [dreg:$0x2];
	s4 =	sor.u32 s7, s4  }
0x9: {  	[smem:$0x7FF] =	sst s3;
	s8 =	ssub.s32 $0x2, s5;
	s7 =	smul.u32 $0x19, s4  }
0xa: {  	_ =	strace $0x80000047;
	s5 =	sadd.s32 $0xF43000, s6;
	s9 =	sshrl.u32 s8, $0x1  }
0xb: {  	s8 =	ssub.s32 s8, s9;
	s9 =	simm.s32 $0x12C00;
	s7 =	sadd.s32 s7, s6  }
0xc: {  	s8 =	smax.u32 s8, $0x1;
	s6 =	sadd.s32 $0x19C00, s6;
	s7 =	sadd.s32 $0xC00, s7  }
.LBB2_1:
0xd: {  	[tilespmem:s9], [sflag:$0x5] =	stream.linear.gather [hbm4b:s6+s3], $0x3200, $0x38;
	[tilespmem:$0x15E00] =	vst v63  }
0xe: {  	_ =	swait.ge [sflag:s10], $0x3200  }
0xf: {  	[sflag:s10] =	ssyncset.done $0x0  }
0x10: {  	[sflag:s10] =	ssyncadd.s32 $0xFFFFCE00  }
0x11: {  	[tilespmem:s3], [sflag:$0x5] =	stream.linear.gather [hbm4b:s7+s3], $0x6400, $0x38;
	[tilespmem:$0x15E00] =	vst v63  }
0x12: {  	_ =	swait.ge [sflag:s10], $0x6400  }
0x13: {  	[sflag:s10] =	ssyncset.done $0x0  }
0x14: {  	s21 =	simm.s32 $0x0;
	[sflag:s10] =	ssyncadd.s32 $0xFFFF9C00  }
0x15: {  	[tilespmem:s12], [sflag:$0x1] =	stream.indirect.gather [hbm4b:s5+s11], $0x40, s3, s11, $0xb8;
	[tilespmem:$0x15E00] =	vst v63  }
.LBB2_2:
0x16: {  	s22 =	sshllo.u32 s21, $0x1  }
0x17: {  	s23 =	smul.u32 $0x320, s22;
	_ =	sdelay $0x1  }
0x18: {  	s23 =	sshra.s32 s23, $0x2  }
0x19: {  	[tilespmem:s13], [sflag:$0x2] =	stream.indirect.gather [hbm4b:s5+s11], $0x40, s23, s11, $0xb8;
	[tilespmem:$0x15E00] =	vst v63  }
0x1a: {  	_ =	swait.ge [sflag:s14], $0x3200  }
0x1b: {  	p0 =	seq.s32 s21, $0x0;
	[sflag:s14] =	ssyncset.done $0x0  }
0x1c: {  	s23 =	simm.s32 @!p0 $0x3;
	[sflag:s14] =	ssyncadd.s32 $0xFFFFCE00  }
0x1d: {  	_ =	swait.ge @!p0 [sflag:s23], $0x3200  }
0x1e: {  	[sflag:s23] =	ssyncset.done @!p0 $0x0  }
0x1f: {  	[sflag:s23] =	ssyncadd.s32 @!p0 $0xFFFFCE00;
	s23 =	simm.s32 $0x0  }
0x20: {  	v0 =	vld [tilespmem:s23+$0x6470]  }
0x21: {  	v1 =	vld [tilespmem:s23+$0x12C70]  }
0x22: {  	v2 =	vld [tilespmem:s23+$0x6400]  }
0x23: {  	v3 =	vld [tilespmem:s23+$0x12C00]  }
0x24: {  	v4 =	vld [tilespmem:s23+$0x6410]  }
0x25: {  	v5 =	vld [tilespmem:s23+$0x12C10]  }
0x26: {  	v6 =	vld [tilespmem:s23+$0x6420]  }
0x27: {  	v7 =	vld [tilespmem:s23+$0x6430]  }
0x28: {  	v0 =	vadd.f32 v1, v0;
	v1 =	vld [tilespmem:s23+$0x12C20]  }
0x29: {  	v8 =	vld [tilespmem:s23+$0x12C30]  }
0x2a: {  	v9 =	vld [tilespmem:s23+$0x12C40];
	v2 =	vadd.f32 v3, v2  }
0x2b: {  	[tilespmem:s23+$0xC870] =	vst v0;
	v0 =	vadd.f32 v5, v4;
	v5 =	vld [tilespmem:s23+$0x6440]  }
0x2c: {  	v3 =	vld [tilespmem:s23+$0x12C50];
	[tilespmem:s23+$0xC800] =	vst v2  }
0x2d: {  	v2 =	vld [tilespmem:s23+$0x6450];
	[tilespmem:s23+$0xC810] =	vst v0;
	v0 =	vadd.f32 v1, v6  }
0x2e: {  	v4 =	vld [tilespmem:s23+$0x12C60];
	v6 =	vadd.f32 v8, v7  }
0x2f: {  	s25 =	simm.s32 $0x80;
	[tilespmem:s23+$0xC820] =	vst v0;
	v0 =	vld [tilespmem:s23+$0x6460]  }
0x30: {  	s24 =	sshll.u32 s21, $0x1;
	s26 =	simm.s32 $0x400;
	v5 =	vadd.f32 v9, v5;
	v1 =	vld [tilespmem:s25+$0x6470];
	[tilespmem:s23+$0xC830] =	vst v6  }
.LBB2_3:
0x31: {  	p1 =	sne.s32 s26, $0xC600;
	v6 =	vld [tilespmem:s25+$0x12C70]  }
0x32: {  	v7 =	vld [tilespmem:s25+$0x6400];
	[tilespmem:s23+$0xC840] =	vst v5;
	v2 =	vadd.f32 v3, v2  }
0x33: {  	v3 =	vld [tilespmem:s25+$0x12C00]  }
0x34: {  	v5 =	vld [tilespmem:s25+$0x6410];
	[tilespmem:s23+$0xC850] =	vst v2;
	v0 =	vadd.f32 v4, v0  }
0x35: {  	v2 =	vld [tilespmem:s25+$0x12C10]  }
0x36: {  	v4 =	vld [tilespmem:s25+$0x6420];
	v1 =	vadd.f32 v6, v1;
	[tilespmem:s23+$0xC860] =	vst v0;
	s23 =	smov.u32 s25  }
0x37: {  	v0 =	vld [tilespmem:s23+$0x12C20]  }
0x38: {  	v3 =	vadd.f32 v3, v7;
	v6 =	vld [tilespmem:s23+$0x6430];
	[tilespmem:s23+$0xC870] =	vst v1  }
0x39: {  	v1 =	vld [tilespmem:s23+$0x12C30]  }
0x3a: {  	[tilespmem:s23+$0xC800] =	vst v3;
	v2 =	vadd.f32 v2, v5;
	v5 =	vld [tilespmem:s23+$0x6440]  }
0x3b: {  	v7 =	vld [tilespmem:s23+$0x12C40]  }
.Ltmp0:
0x3c: {  	[tilespmem:s23+$0xC810] =	vst v2;
	v0 =	vadd.f32 v0, v4;
	v2 =	vld [tilespmem:s23+$0x6450];
	(pc) =	sbr.rel @p1 .LBB2_3-.Ltmp0, $4  }
0x3d: {  	v3 =	vld [tilespmem:s23+$0x12C50]  }
0x3e: {  	[tilespmem:s23+$0xC820] =	vst v0;
	v6 =	vadd.f32 v1, v6;
	v0 =	vld [tilespmem:s23+$0x6460]  }
0x3f: {  	s25 =	sshra.s32 s26, $0x2;
	v4 =	vld [tilespmem:s23+$0x12C60]  }
0x40: {  	s26 =	sadd.s32 $0x200, s26;
	v1 =	vld [tilespmem:s25+$0x6470];
	[tilespmem:s23+$0xC830] =	vst v6;
	v5 =	vadd.f32 v7, v5  }
0x41: {  	v6 =	vld [tilespmem:s25+$0x12C70]  }
0x42: {  	v7 =	vld [tilespmem:s25+$0x6400];
	[tilespmem:s23+$0xC840] =	vst v5;
	v2 =	vadd.f32 v3, v2  }
0x43: {  	v51 =	vld [tilespmem:s25+$0x12C00]  }
0x44: {  	v5 =	vld [tilespmem:s25+$0x6410];
	[tilespmem:s23+$0xC850] =	vst v2;
	v0 =	vadd.f32 v4, v0  }
0x45: {  	v2 =	vld [tilespmem:s25+$0x12C10]  }
0x46: {  	v52 =	vld [tilespmem:s25+$0x6420];
	[tilespmem:s23+$0xC860] =	vst v0  }
0x47: {  	v54 =	vld [tilespmem:s25+$0x12C20]  }
0x48: {  	v55 =	vld [tilespmem:s25+$0x6430]  }
0x49: {  	v56 =	vld [tilespmem:s25+$0x12C30]  }
0x4a: {  	v57 =	vld [tilespmem:s25+$0x6440]  }
0x4b: {  	v58 =	vld [tilespmem:s25+$0x12C40]  }
0x4c: {  	v59 =	vld [tilespmem:s25+$0x6450]  }
0x4d: {  	v53 =	vadd.f32 v6, v1;
	v60 =	vld [tilespmem:s25+$0x12C50]  }
0x4e: {  	v61 =	vld [tilespmem:s25+$0x6460];
	v3 =	vadd.f32 v51, v7  }
0x4f: {  	v62 =	vld [tilespmem:s25+$0x12C60];
	[tilespmem:s25+$0xC870] =	vst v53;
	v2 =	vadd.f32 v2, v5  }
0x50: {  	[tilespmem:s25+$0xC800] =	vst v3;
	v1 =	vadd.f32 v54, v52  }
0x51: {  	[tilespmem:s25+$0xC810] =	vst v2;
	v0 =	vadd.f32 v56, v55  }
0x52: {  	p1 =	sne.s32 s21, $0x3F;
	v3 =	vadd.f32 v58, v57;
	[tilespmem:s25+$0xC820] =	vst v1  }
.Ltmp1:
0x53: {  	s31 =	sadd.s32 s4, s24;
	v63 =	vadd.f32 v60, v59;
	[tilespmem:s25+$0xC830] =	vst v0;
	(pc) =	sbr.rel @p1 .LBB2_6-.Ltmp1, $4  }
0x54: {  	s23 =	smul.u32 $0x640, s31;
	[tilespmem:s25+$0xC840] =	vst v3;
	v1 =	vadd.f32 v62, v61  }
0x55: {  	[tilespmem:s25+$0xC850] =	vst v63  }
0x56: {  	s23 =	sadd.s32 s2, s23;
	[tilespmem:s25+$0xC860] =	vst v1  }
0x57: {  	[hbm4b:s23+s3] =	stream.linear.scatter [tilespmem:s15], [sflag:$0x3], $0x3200, $0x38;
	[tilespmem:$0x15E00] =	vst v63  }
.Ltmp2:
0x58: {  	(pc) =	sbr.rel .LBB2_7-.Ltmp2, $4  }
0x59: {  	_ = 	snop  }
0x5a: {  	_ =	swait.ge [sflag:s16], $0x3200  }
0x5b: {  	[sflag:s16] =	ssyncset.done $0x0  }
0x5c: {  	[sflag:s16] =	ssyncadd.s32 $0xFFFFCE00  }
.LBB2_6:
0x5d: {  	s23 =	smul.u32 $0x640, s21;
	_ =	sdelay $0x1  }
0x5e: {  	s23 =	sshra.s32 s23, $0x2  }
.Ltmp3:
0x5f: {  	s23 =	sadd.s32 $0x190, s23;
	(pc) =	sbr.rel @p0 .LBB2_8-.Ltmp3, $4  }
0x60: {  	[tilespmem:s12], [sflag:$0x1] =	stream.indirect.gather [hbm4b:s5+s11], $0x40, s23, s11, $0xb8;
	[tilespmem:$0x15E00] =	vst v63  }
0x61: {  	_ =	swait.ge [sflag:s16], $0x3200  }
0x62: {  	[sflag:s16] =	ssyncset.done $0x0  }
0x63: {  	[sflag:s16] =	ssyncadd.s32 $0xFFFFCE00  }
.LBB2_7:
0x64: {  	_ =	swait.ge [sflag:s17], $0x3200  }
0x65: {  	[sflag:s17] =	ssyncset.done $0x0  }
0x66: {  	[sflag:s17] =	ssyncadd.s32 $0xFFFFCE00  }
.LBB2_8:
0x67: {  	s23 =	simm.s32 $0x0  }
0x68: {  	v0 =	vld [tilespmem:s23+$0x9670]  }
0x69: {  	v1 =	vld [tilespmem:s23+$0x12C70]  }
0x6a: {  	v2 =	vld [tilespmem:s23+$0x9600]  }
0x6b: {  	v3 =	vld [tilespmem:s23+$0x12C00]  }
0x6c: {  	v4 =	vld [tilespmem:s23+$0x9610]  }
0x6d: {  	v5 =	vld [tilespmem:s23+$0x12C10]  }
0x6e: {  	v6 =	vld [tilespmem:s23+$0x9620]  }
0x6f: {  	v7 =	vld [tilespmem:s23+$0x9630]  }
0x70: {  	v0 =	vadd.f32 v1, v0;
	v1 =	vld [tilespmem:s23+$0x12C20]  }
0x71: {  	v8 =	vld [tilespmem:s23+$0x12C30]  }
0x72: {  	v9 =	vld [tilespmem:s23+$0x12C40];
	v2 =	vadd.f32 v3, v2  }
0x73: {  	[tilespmem:s23+$0xFA70] =	vst v0;
	v0 =	vadd.f32 v5, v4;
	v5 =	vld [tilespmem:s23+$0x9640]  }
0x74: {  	v3 =	vld [tilespmem:s23+$0x12C50];
	[tilespmem:s23+$0xFA00] =	vst v2  }
0x75: {  	v2 =	vld [tilespmem:s23+$0x9650];
	[tilespmem:s23+$0xFA10] =	vst v0;
	v0 =	vadd.f32 v1, v6  }
0x76: {  	v4 =	vld [tilespmem:s23+$0x12C60];
	v6 =	vadd.f32 v8, v7  }
0x77: {  	s24 =	simm.s32 $0x80;
	[tilespmem:s23+$0xFA20] =	vst v0;
	v0 =	vld [tilespmem:s23+$0x9660]  }
0x78: {  	s25 =	simm.s32 $0x400;
	v5 =	vadd.f32 v9, v5;
	v1 =	vld [tilespmem:s24+$0x9670];
	[tilespmem:s23+$0xFA30] =	vst v6  }
.LBB2_9:
0x79: {  	p0 =	sne.s32 s25, $0xC600;
	v6 =	vld [tilespmem:s24+$0x12C70]  }
0x7a: {  	v7 =	vld [tilespmem:s24+$0x9600];
	[tilespmem:s23+$0xFA40] =	vst v5;
	v2 =	vadd.f32 v3, v2  }
0x7b: {  	v3 =	vld [tilespmem:s24+$0x12C00]  }
0x7c: {  	v5 =	vld [tilespmem:s24+$0x9610];
	[tilespmem:s23+$0xFA50] =	vst v2;
	v0 =	vadd.f32 v4, v0  }
0x7d: {  	v2 =	vld [tilespmem:s24+$0x12C10]  }
0x7e: {  	v4 =	vld [tilespmem:s24+$0x9620];
	v1 =	vadd.f32 v6, v1;
	[tilespmem:s23+$0xFA60] =	vst v0;
	s23 =	smov.u32 s24  }
0x7f: {  	v0 =	vld [tilespmem:s23+$0x12C20]  }
0x80: {  	v3 =	vadd.f32 v3, v7;
	v6 =	vld [tilespmem:s23+$0x9630];
	[tilespmem:s23+$0xFA70] =	vst v1  }
0x81: {  	v1 =	vld [tilespmem:s23+$0x12C30]  }
0x82: {  	[tilespmem:s23+$0xFA00] =	vst v3;
	v2 =	vadd.f32 v2, v5;
	v5 =	vld [tilespmem:s23+$0x9640]  }
0x83: {  	v7 =	vld [tilespmem:s23+$0x12C40]  }
.Ltmp4:
0x84: {  	[tilespmem:s23+$0xFA10] =	vst v2;
	v0 =	vadd.f32 v0, v4;
	v2 =	vld [tilespmem:s23+$0x9650];
	(pc) =	sbr.rel @p0 .LBB2_9-.Ltmp4, $4  }
0x85: {  	v3 =	vld [tilespmem:s23+$0x12C50]  }
0x86: {  	[tilespmem:s23+$0xFA20] =	vst v0;
	v6 =	vadd.f32 v1, v6;
	v0 =	vld [tilespmem:s23+$0x9660]  }
0x87: {  	s24 =	sshra.s32 s25, $0x2;
	v4 =	vld [tilespmem:s23+$0x12C60]  }
0x88: {  	s25 =	sadd.s32 $0x200, s25;
	v1 =	vld [tilespmem:s24+$0x9670];
	[tilespmem:s23+$0xFA30] =	vst v6;
	v5 =	vadd.f32 v7, v5  }
0x89: {  	v6 =	vld [tilespmem:s24+$0x12C70]  }
0x8a: {  	v7 =	vld [tilespmem:s24+$0x9600];
	[tilespmem:s23+$0xFA40] =	vst v5;
	v2 =	vadd.f32 v3, v2  }
0x8b: {  	v51 =	vld [tilespmem:s24+$0x12C00]  }
0x8c: {  	v5 =	vld [tilespmem:s24+$0x9610];
	[tilespmem:s23+$0xFA50] =	vst v2;
	v0 =	vadd.f32 v4, v0  }
0x8d: {  	v2 =	vld [tilespmem:s24+$0x12C10]  }
0x8e: {  	v52 =	vld [tilespmem:s24+$0x9620];
	[tilespmem:s23+$0xFA60] =	vst v0  }
0x8f: {  	v54 =	vld [tilespmem:s24+$0x12C20]  }
0x90: {  	v55 =	vld [tilespmem:s24+$0x9630]  }
0x91: {  	v56 =	vld [tilespmem:s24+$0x12C30]  }
0x92: {  	v57 =	vld [tilespmem:s24+$0x9640]  }
0x93: {  	v58 =	vld [tilespmem:s24+$0x12C40]  }
0x94: {  	v59 =	vld [tilespmem:s24+$0x9650]  }
0x95: {  	v53 =	vadd.f32 v6, v1;
	v60 =	vld [tilespmem:s24+$0x12C50]  }
0x96: {  	v61 =	vld [tilespmem:s24+$0x9660];
	v3 =	vadd.f32 v51, v7  }
0x97: {  	v62 =	vld [tilespmem:s24+$0x12C60];
	[tilespmem:s24+$0xFA70] =	vst v53;
	v2 =	vadd.f32 v2, v5  }
0x98: {  	[tilespmem:s24+$0xFA00] =	vst v3;
	v1 =	vadd.f32 v54, v52  }
0x99: {  	s21 =	sadd.s32 $0x1, s21;
	[tilespmem:s24+$0xFA10] =	vst v2;
	v0 =	vadd.f32 v56, v55  }
0x9a: {  	p0 =	sne.s32 s21, $0x40;
	v3 =	vadd.f32 v58, v57;
	[tilespmem:s24+$0xFA20] =	vst v1  }
.Ltmp5:
0x9b: {  	s22 =	sadd.s32 s4, s22;
	v63 =	vadd.f32 v60, v59;
	[tilespmem:s24+$0xFA30] =	vst v0;
	(pc) =	sbr.rel @p0 .LBB2_2-.Ltmp5, $4  }
0x9c: {  	s22 =	smul.u32 $0x640, s22;
	[tilespmem:s24+$0xFA40] =	vst v3;
	v1 =	vadd.f32 v62, v61  }
0x9d: {  	[tilespmem:s24+$0xFA50] =	vst v63  }
0x9e: {  	s22 =	sadd.s32 s2, s22;
	[tilespmem:s24+$0xFA60] =	vst v1  }
0x9f: {  	[hbm4b:s22+s3] =	stream.linear.scatter [tilespmem:s18], [sflag:$0x4], $0x3200, $0x38;
	[tilespmem:$0x15E00] =	vst v63  }
0xa0: {  	s20 =	sadd.s32 $0x1, s20  }
0xa1: {  	_ =	swait.ge [sflag:s19], $0x3200;
	p0 =	sne.s32 s20, s8  }
.Ltmp6:
0xa2: {  	[sflag:s19] =	ssyncset.done $0x0;
	(pc) =	sbr.rel @p0 .LBB2_1-.Ltmp6, $4  }
0xa3: {  	[sflag:s19] =	ssyncadd.s32 $0xFFFFCE00  }
0xa4: {  	_ =	swait.ge [sflag:s17], $0x3200  }
0xa5: {  	[sflag:s17] =	ssyncset.done $0x0  }
0xa6: {  	[sflag:s17] =	ssyncadd.s32 $0xFFFFCE00  }
0xa7: {  	_ =	sfence.sel $0x180000  }
0xa8: {  	[bflag:$0x0] =	sbarrier.arrive $0xFFFF  }
0xa9: {  	p0 =	sne.s32 s0, $0x0;
	_ =	strace $0x90000047  }
0xaa: {  	s0 =	sadd.s32 @!p0 $0x100000, s1;
	[bflag:$0x2] =	sbarrier.arrive $0xFFFF  }
0xab: {  	[sflag:s0] =	ssyncadd.tile.s32 @!p0 $0x1;
	_ =	shalt  }
.Lfunc_end2:
_tile_overlayer_lowered:
.L_overlay_start_2:
0xac: {  	(tag) =	ssettag $0x2  }
0xad: {  	s0 =	rddreg [dreg:$0x0];
	s2 =	stileid.u32  }
0xae: {  	s1 =	rddreg [dreg:$0x1];
	p0 =	sne.s32 s2, $0x0  }
0xaf: {  	s3 =	rddreg [dreg:$0x2];
	[bflag:$0x3] =	sbarrier.arrive $0xFFFF;
	s2 =	simm.s32 @!p0 $0x1C05  }
0xb0: {  	[timem:s3], [sflag:s2] =	dma.local @!p0 [hbm:s0], s1  }
0xb1: {  	s0 =	simm.s32 @!p0 $0x5  }
0xb2: {  	_ =	swait.ge @!p0 [sflag:s0], s1  }
0xb3: {  	s1 =	ssub.s32 @!p0 $0x0, s1;
	[sflag:s0] =	ssyncset.done @!p0 $0x0  }
0xb4: {  	[sflag:s0] =	ssyncadd.s32 @!p0 s1  }
0xb5: {  	[bflag:$0x3] =	sbarrier.arrive $0xFFFF  }
0xb6: {  	_ =	shalt  }

// kernel: sparse-core-data-format-call.cloned.1.call-start
scs
called_computation_lowered:
.L_overlay_start_0:
0x0: {  	s2 =	sld [smem:$0x3FD9]  }
0x1: {  	s3 =	sld [smem:$0x3FFE];
	_ =	sdelay $0x1  }
0x2: {  	s1 =	srdreg.scid  }
0x3: {  	s0 =	sand.u32 $0x1, s1  }
0x4: {  	s18 =	sshll.u32 s0, $0xA;
	s2 =	sadd.s32 s3, s2  }
0x5: {  	s2 =	sadd.s32 s2, s18  }
0x6: {  	[smem:$0x3FC5] =	sst s2  }
0x7: {  	_ = 	snop  }
0x8: {  	s2 =	sld [smem:$0x3FD0];
	(tm) =	ssettm $0x1  }
0x9: {  	s19 =	sld [smem:$0x3FFB];
	_ =	sdelay $0x3  }
0xa: {  	_ =	strace s19  }
0xb: {  	s3 =	sld [smem:$0x3FFC];
	_ =	sdelay $0x3  }
0xc: {  	_ =	strace s3  }
0xd: {  	s3 =	sld [smem:$0x3FFD];
	_ =	sdelay $0x3  }
0xe: {  	_ =	strace s3  }
0xf: {  	_ =	strace $0x8FFFFFFF  }
0x10: {  	s20 =	sld [smem:$0x3FDB];
	_ =	sdelay $0x1  }
0x11: {  	s4 =	simm.s32 $_scs_section_size  }
0x12: {  	s5 =	simm.s32 $_size__tile_overlayer_lowered;
	s6 =	simm.s32 $_tile_overlayer_lowered  }
0x13: {  	s23 =	simm.s32 $0x1BFF;
	s22 =	sshll.u32 s6, $0x1;
	s3 =	sadd.s32 s4, s20  }
0x14: {  	s7 =	simm.s32 $0x0;
	s21 =	sshll.u32 s5, $0x1;
	s5 =	sadd.s32 s22, s3  }
0x15: {  	[timem:s7], [sflag:s23] =	dma.local [hbm:s5], s21  }
0x16: {  	_ =	swait.ge [sflag:s23], s21  }
0x17: {  	s4 =	ssub.s32 $0x0, s21;
	[sflag:s23] =	ssyncset.done $0x0  }
0x18: {  	[sflag:s23] =	ssyncadd.s32 s4;
	_ =	sdelay $0x1  }
0x19: {  	s24 =	simm.s32 $0x1B8B  }
0x1a: {  	_ =	swait.ge [sflag:s24], $0x1  }
0x1b: {  	[sflag:s24] =	ssyncset.done $0x0  }
0x1c: {  	s26 =	simm.s32 $0x1B8E;
	s25 =	sld [smem:$0x3FFE];
	[sflag:s24] =	ssyncadd.s32 $0xFFFFFFFF  }
0x1d: {  	s27 =	simm.s32 $execute0_lowered;
	[smem:$0x3FD2] =	sst s26  }
0x1e: {  	s5 =	sshll.u32 s27, $0x1;
	_ =	strace $0x80000049;
	[dreg:$0x1] =	wrdreg $0xFFFFFFFF  }
0x1f: {  	s28 =	simm.s32 $_size_execute0_lowered;
	s3 =	sadd.s32 s3, s5;
	[dreg:$0x0] =	wrdreg $0x0  }
0x20: {  	s5 =	sshll.u32 s28, $0x1;
	[dreg:$0x2] =	wrdreg s3  }
0x21: {  	[dreg:$0x3] =	wrdreg s5  }
0x22: {  	[dreg:$0x4] =	wrdreg $0xC0  }
0x23: {  	_ =	task [dreg:s7], $0x5FFFF  }
0x24: {  	[dreg:$0x1] =	wrdreg $0xFFFFFFFF  }
0x25: {  	[dreg:$0x0] =	wrdreg $0x60  }
0x26: {  	[dreg:$0x2] =	wrdreg s25  }
0x27: {  	[dreg:$0x3] =	wrdreg s2  }
0x28: {  	[dreg:$0x4] =	wrdreg $0x9  }
0x29: {  	_ =	task.clear_ibuf [dreg:s7], $0x5FFFF;
	_ =	strace $0x90000049  }
0x2a: {  	s29 =	simm.s32 $0x9;
	_ =	strace $0x8000004B  }
0x2b: {  	_ =	swait.ge [sflag:s29], $0x1  }
0x2c: {  	[sflag:s29] =	ssyncadd.s32 $0xFFFFFFFF  }
0x2d: {  	_ =	strace $0x9000004B  }
0x2e: {  	_ =	sfence  }
0x2f: {  	s30 =	sld [smem:$0x0];
	_ =	sdelay $0x2  }
0x30: {  	s31 =	sshll.u32 s1, $0xD;
	s1 =	sshrl.u32 s1, $0x2  }
0x31: {  	s3 =	sand.u32 $0x4000, s31;
	s1 =	sadd.s32 s1, s30  }
0x32: {  	s0 =	sor.u32 s3, s0;
	s1 =	sshll.u32 s1, $0x11  }
0x33: {  	s0 =	sor.u32 s1, s0  }
0x34: {  	s0 =	sadd.s32 $0x8F2B, s0  }
0x35: {  	[sflag:s0] =	ssyncadd.remote.s32 $0x1  }
0x36: {  	_ =	sfence.sel $0xFFFF  }
0x37: {  	[dreg:$0x0] =	wrdreg $0xFFFFFFFF;
	(pc) =	sbr.abs _section_cstart, $3  }
0x38: {  	[dreg:$0x1] =	wrdreg $0xFFFFFFFF  }
0x39: {  	_ =	task.clear_ibuf [dreg:s7], $0x2FFFF;
	_ =	strace $0x9FFFFFFF  }
0x3a: {  	(tm) =	ssettm $0x7FFFFFFF  }
0x3b: {  	_ =	shalt  }
tec
execute0_lowered:
.L_overlay_start_1:
0x0: {  	(tag) =	ssettag $0x1  }
0x1: {  	s0 =	srdreg.scid  }
0x2: {  	s1 =	sshll.u32 s0, $0x4  }
0x3: {  	s0 =	stileid.u32;
	s1 =	sand.u32 $0x10, s1  }
0x4: {  	s1 =	sor.u32 s0, s1  }
0x5: {  	s6 =	rddreg [dreg:$0x0];
	s4 =	simm.s32 $0x1;
	s2 =	sshll.u32 s1, $0x7  }
0x6: {  	s7 =	simm.s32 $0x2;
	s13 =	simm.s32 $0x0;
	s1 =	ssub.s32 $0x1000, s2  }
0x7: {  	s8 =	simm.s32 $0x8000;
	s12 =	simm.s32 $0x0;
	s3 =	sand.u32 $0xF80, s1  }
0x8: {  	s9 =	simm.s32 $0x0;
	s5 =	sshrl.u32 s1, $0xC;
	p0 =	sne.s32 s3, $0x0  }
.Ltmp0:
0x9: {  	s1 =	rddreg [dreg:$0x2];
	s4 =	simm.s32 @!p0 $0x0;
	(pc) =	sbr.rel .LBB1_1-.Ltmp0, $4  }
0xa: {  	s11 =	simm.s32 $0x0;
	s3 =	rddreg [dreg:$0x1];
	s5 =	sadd.s32 s4, s5  }
0xb: {  	_ =	strace $0x8000004A;
	s4 =	simm.s32 $0x1;
	s5 =	smul.u32 $0x64, s5  }
0xc: {  	s6 =	sadd.s32 $0xC00, s6;
	s10 =	smov.u32 s2;
	[sflag:s4] =	ssyncpa.u1 $0x0  }
0xd: {  	p0 =	por $0x0, $0x0;
	[sflag:s7] =	ssyncpa.u1 $0x0;
	s7 =	sor.u32 $0x1, s5  }
.LBB1_4:
0xe: {  	v5 =	vld [tilespmem:s17+$0xFFFFFFD0];
	[tilespmem:s16+$0x2040 ss:$0x81] =	vst.msk $0xffff, v4;
	s19 =	sshll.u32 s13, $0xC;
	s20 =	sshll.u32 s12, $0x3  }
0xf: {  	v58 =	vld [tilespmem:s17+$0xFFFFFFE0];
	[tilespmem:s16+$0x2850 ss:$0x81] =	vst.msk $0xffff, v3;
	s19 =	sand.u32 $0xFFFF8000, s19;
	s21 =	sand.u32 $0xFFFFFC00, s20  }
0x10: {  	s18 =	sshra.s32 s18, $0x2;
	v59 =	vld [tilespmem:s17+$0xFFFFFFF0];
	[tilespmem:s16+$0x3060 ss:$0x81] =	vst.msk $0xffff, v2;
	s19 =	sadd.s32 s21, s19  }
0x11: {  	v60 =	vld [tilespmem:s17+$0x0];
	[tilespmem:s16+$0x0 ss:$0x81] =	vst.msk $0xffff, v0;
	s15 =	sadd.s32 s18, s15;
	s26 =	sshrl.u32 s19, $0xC  }
0x12: {  	v61 =	vld [tilespmem:s17+$0x10];
	[tilespmem:s15+$0x3870 ss:$0x81] =	vst.msk $0xffff, v1;
	s27 =	smulhi.u32 $0xA3D71, s26  }
0x13: {  	v62 =	vld [tilespmem:s17+$0x20];
	s28 =	sand.u32 $0x78, s12;
	[tilespmem:s15+$0x810 ss:$0x81] =	vst.msk $0xffff, v5  }
0x14: {  	v63 =	vld [tilespmem:s17+$0xFFFFFFC0];
	s29 =	sshll.u32 s13, $0x7;
	s30 =	sand.u32 $0xC00, s20;
	[tilespmem:s15+$0x1020 ss:$0x81] =	vst.msk $0xffff, v58;
	s18 =	sshrl.u32 s27, $0x1  }
0x15: {  	s13 =	sand.u32 $0x380, s29;
	s17 =	sor.u32 s28, s30;
	[tilespmem:s15+$0x1830 ss:$0x81] =	vst.msk $0xffff, v59;
	s18 =	smul.u32 $0x3200, s18  }
0x16: {  	s13 =	sor.u32 s13, s17;
	[tilespmem:s15+$0x2040 ss:$0x81] =	vst.msk $0xffff, v60  }
0x17: {  	s31 =	sand.u32 $0x7, s12;
	s13 =	sshrl.u32 s13, $0x3;
	[tilespmem:s15+$0x2850 ss:$0x81] =	vst.msk $0xffff, v61;
	s16 =	ssub.s32 s26, s18  }
0x18: {  	s12 =	sshll.u32 s31, $0x12;
	[tilespmem:s15+$0x3060 ss:$0x81] =	vst.msk $0xffff, v62;
	s13 =	sadd.s32 s3, s13;
	s16 =	sshll.u32 s16, $0x9  }
0x19: {  	s12 =	sor.u32 $0x400, s12;
	[tilespmem:s15+$0x0 ss:$0x81] =	vst.msk $0xffff, v63;
	s13 =	sadd.s32 s16, s13  }
0x1a: {  	[hbm4b:s13+s12] =	stream.strided.scatter [tilespmem:s14], [sflag:$0x2], $0x4000, s8, s12, $0x20;
	[tilespmem:$0x10100] =	vst v63  }
.LBB1_5:
0x1b: {  	s14 =	sadd.s32 $0x80, s9  }
0x1c: {  	s12 =	sadd.s32 $0x1000, s10;
	s16 =	smov.u32 s10;
	p2 =	sgt.s32 s14, $0x31FF  }
0x1d: {  	s16 =	smov.u32 @p2 s12  }
0x1e: {  	s14 =	simm.s32 @p2 $0x0;
	p2 =	sgt.s32 s16, $0xFFF  }
0x1f: {  	s16 =	smov.u32 @p2 s2;
	p2 =	sne.s32 s11, s7  }
.Ltmp1:
0x20: {  	p1 =	slt.u32 s11, $0x2;
	(pc) =	sbr.rel @!p2 .LBB1_6-.Ltmp1, $4  }
0x21: {  	s15 =	simm.s32 @!p1 $0x2  }
0x22: {  	s13 =	smov.u32 s9;
	p0 =	por !p0, !p0;
	_ =	swait.ge @!p1 [sflag:s15], $0x4000  }
0x23: {  	s12 =	smov.u32 s10;
	[sflag:s15] =	ssyncset.done @!p1 $0x0;
	s9 =	smov.u32 s14  }
0x24: {  	s11 =	sadd.s32 $0x1, s11;
	[sflag:s15] =	ssyncadd.s32 @!p1 $0xFFFFC000;
	s10 =	smov.u32 s16  }
.LBB1_1:
0x25: {  	p1 =	sge.u32 s11, s5  }
0x26: {  	s14 =	sshrl.u32 @!p1 s10, $0x3  }
0x27: {  	s15 =	sshll.u32 @!p1 s9, $0x3;
	s14 =	smul.u32 @!p1 $0x19000, s14  }
0x28: {  	s16 =	sshll.u32 @!p1 s10, $0x7;
	s15 =	sand.u32 @!p1 $0xFFFFFC00, s15  }
0x29: {  	s14 =	sadd.s32 @!p1 s14, s15;
	s15 =	sand.u32 @!p1 $0x380, s16  }
0x2a: {  	s16 =	sand.u32 @!p1 $0x7F, s9;
	s14 =	sor.u32 @!p1 s15, s14  }
0x2b: {  	s15 =	sor.u32 @!p1 s16, s14  }
0x2c: {  	s16 =	smulhi.u32 @!p1 $0x51EB851F, s15;
	_ =	sdelay $0x1  }
0x2d: {  	s14 =	smulhi.u32 @!p1 $0x51EB851F, s14;
	s16 =	sshrl.u32 @!p1 s16, $0xC  }
0x2e: {  	s16 =	smul.u32 @!p1 $0x3200, s16  }
0x2f: {  	s31 =	sadd.s32 $0xFFFFFFFF, s11;
	s17 =	sxor.u32 @!p1 $0xFFFFFFFF, s11;
	s14 =	sshrl.u32 @!p1 s14, $0xC  }
0x30: {  	s17 =	sshll.u32 @!p1 s17, $0xE;
	s14 =	sand.u32 @!p1 $0xFFF, s14;
	s15 =	ssub.s32 @!p1 s15, s16  }
0x31: {  	s14 =	smul.u32 @!p1 $0x640, s14;
	s16 =	sshrl.u32 @!p1 s15, $0x3;
	s15 =	sand.u32 @!p1 $0x7, s15  }
0x32: {  	s17 =	sand.u32 @!p1 $0x4000, s17;
	s16 =	sadd.s32 @!p1 s6, s16;
	s15 =	sshll.u32 @!p1 s15, $0x12  }
0x33: {  	s14 =	sadd.s32 @!p1 s14, s16;
	s15 =	sor.u32 @!p1 $0x400, s15;
	s16 =	simm.s32 @!p1 $0x19000  }
0x34: {  	[tilespmem:s17], [sflag:$0x1] =	stream.strided.gather @!p1 [hbm4b:s14+s15], $0x4000, s16, s15, $0x38;
	[tilespmem:$0x10100] =	vst v63  }
0x35: {  	p1 =	sge.u32 s31, s5  }
.Ltmp2:
0x36: {  	_ = 	snop;
	(pc) =	sbr.rel @p1 .LBB1_5-.Ltmp2, $1  }
0x37: {  	_ =	sdelay $0x3  }
0x38: {  	s14 =	simm.s32 $0x1  }
0x39: {  	_ =	swait.ge [sflag:s4], $0x4000;
	s14 =	simm.s32 @!p0 $0x0  }
0x3a: {  	[sflag:s4] =	ssyncset.done $0x0;
	s15 =	sshll.u32 s14, $0xE  }
0x3b: {  	[sflag:s4] =	ssyncadd.s32 $0xFFFFC000;
	s17 =	sor.u32 $0x40, s15  }
0x3c: {  	s14 =	smul.u32 $0x10200, s14;
	v0 =	vld [tilespmem:s17+$0x30]  }
0x3d: {  	v1 =	vld [tilespmem:s17+$0xFFFFFFD0]  }
0x3e: {  	s14 =	sshrl.u32 s14, $0x2;
	v5 =	vld [tilespmem:s17+$0xFFFFFFE0]  }
0x3f: {  	v6 =	vld [tilespmem:s17+$0xFFFFFFF0];
	s15 =	sor.u32 $0x8000, s14  }
0x40: {  	s31 =	sand.u32 $0x1, s11;
	v4 =	vld [tilespmem:s17+$0x0];
	s16 =	sadd.s32 $0x0, s15  }
0x41: {  	v3 =	vld [tilespmem:s17+$0x10];
	s14 =	smul.u32 $0x10200, s31;
	[tilespmem:s16+$0x3870 ss:$0x81] =	vst.msk $0xffff, v0  }
0x42: {  	v2 =	vld [tilespmem:s17+$0x20];
	[tilespmem:s16+$0x810 ss:$0x81] =	vst.msk $0xffff, v1  }
0x43: {  	s14 =	sshrl.u32 s14, $0x2;
	v0 =	vld [tilespmem:s17+$0xFFFFFFC0];
	[tilespmem:s16+$0x1020 ss:$0x81] =	vst.msk $0xffff, v5;
	s17 =	sadd.s32 $0x80, s17  }
0x44: {  	s18 =	simm.s32 $0x4;
	s19 =	simm.s32 $0x8;
	s14 =	sor.u32 $0x8000, s14;
	[tilespmem:s16+$0x1830 ss:$0x81] =	vst.msk $0xffff, v6;
	v1 =	vld [tilespmem:s17+$0x30]  }
.LBB1_3:
0x45: {  	p1 =	sne.s32 s19, $0x1FC;
	v5 =	vld [tilespmem:s17+$0xFFFFFFD0];
	[tilespmem:s16+$0x2040 ss:$0x81] =	vst.msk $0xffff, v4  }
0x46: {  	v6 =	vld [tilespmem:s17+$0xFFFFFFE0];
	[tilespmem:s16+$0x2850 ss:$0x81] =	vst.msk $0xffff, v3  }
0x47: {  	s20 =	sshra.s32 s18, $0x2;
	s18 =	smov.u32 s19;
	v7 =	vld [tilespmem:s17+$0xFFFFFFF0];
	[tilespmem:s16+$0x3060 ss:$0x81] =	vst.msk $0xffff, v2  }
.Ltmp3:
0x48: {  	v4 =	vld [tilespmem:s17+$0x0];
	[tilespmem:s16+$0x0 ss:$0x81] =	vst.msk $0xffff, v0;
	s16 =	sadd.s32 s20, s15;
	(pc) =	sbr.rel @p1 .LBB1_3-.Ltmp3, $4  }
0x49: {  	v3 =	vld [tilespmem:s17+$0x10];
	[tilespmem:s16+$0x3870 ss:$0x81] =	vst.msk $0xffff, v1  }
0x4a: {  	[tilespmem:s16+$0x810 ss:$0x81] =	vst.msk $0xffff, v5;
	v2 =	vld [tilespmem:s17+$0x20]  }
0x4b: {  	v0 =	vld [tilespmem:s17+$0xFFFFFFC0];
	[tilespmem:s16+$0x1020 ss:$0x81] =	vst.msk $0xffff, v6;
	s17 =	sadd.s32 $0x80, s17  }
0x4c: {  	s19 =	sadd.s32 $0x4, s19;
	v1 =	vld [tilespmem:s17+$0x30];
	[tilespmem:s16+$0x1830 ss:$0x81] =	vst.msk $0xffff, v7  }
.Ltmp4:
0x4d: {  	_ = 	snop;
	(pc) =	sbr.rel .LBB1_4-.Ltmp4, $1  }
0x4e: {  	_ =	sdelay $0x3  }
.LBB1_6:
0x4f: {  	_ =	sfence.sel $0x180000  }
0x50: {  	s2 =	simm.s32 $0x1;
	[bflag:$0x0] =	sbarrier.arrive $0xFFFF  }
0x51: {  	s31 =	simm.s32 $0x2;
	[sflag:s2] =	ssyncpa.u1 $0x1  }
0x52: {  	[sflag:s31] =	ssyncpa.u1 $0x1  }
0x53: {  	p0 =	sne.s32 s0, $0x0;
	_ =	strace $0x9000004A  }
0x54: {  	s0 =	sadd.s32 @!p0 $0x100000, s1;
	[bflag:$0x2] =	sbarrier.arrive $0xFFFF  }
0x55: {  	[sflag:s0] =	ssyncadd.tile.s32 @!p0 $0x1;
	_ =	shalt  }
.Lfunc_end1:
_tile_overlayer_lowered:
.L_overlay_start_2:
0x56: {  	(tag) =	ssettag $0x2  }
0x57: {  	s0 =	rddreg [dreg:$0x0];
	s2 =	stileid.u32  }
0x58: {  	s1 =	rddreg [dreg:$0x1];
	p0 =	sne.s32 s2, $0x0  }
0x59: {  	s3 =	rddreg [dreg:$0x2];
	[bflag:$0x3] =	sbarrier.arrive $0xFFFF;
	s2 =	simm.s32 @!p0 $0x1C01  }
0x5a: {  	[timem:s3], [sflag:s2] =	dma.local @!p0 [hbm:s0], s1  }
0x5b: {  	s0 =	simm.s32 @!p0 $0x1  }
0x5c: {  	_ =	swait.ge @!p0 [sflag:s0], s1  }
0x5d: {  	s1 =	ssub.s32 @!p0 $0x0, s1;
	[sflag:s0] =	ssyncset.done @!p0 $0x0  }
0x5e: {  	[sflag:s0] =	ssyncadd.s32 @!p0 s1  }
0x5f: {  	[bflag:$0x3] =	sbarrier.arrive $0xFFFF  }
0x60: {  	_ =	shalt  }

</sc_bundles>
